<compile_context>
chip_gen: v7x
topology: tpu7x:2x2x1
jax: 0.10.2.dev20260603
libtpu: 0.0.44.dev20260713+nightly
codegen_flags: <defaults>
</compile_context>

<pallas_src>
import jax
import jax.numpy as jnp
from jax import lax
from jax.experimental import pallas as pl
from jax.experimental.pallas import tpu as pltpu
from jax.experimental.pallas import tpu_sc as plsc

B = 32
T = 2048
D = 128
C = 128
NC = 2
NS = 16
NW = NC * NS
NTC = T // C
NBG = NW // NTC
GB = B // NBG
NBUF = 6
DEPTH = 5


def _emb_body(x_hbm, tok_hbm, pos_hbm, out_hbm, idx_v, spos, *rest):
    toks = rest[:NBUF]
    psem = rest[NBUF]
    isem = rest[NBUF + 1]
    gsems = rest[NBUF + 2:2 * NBUF + 2]
    osems = rest[2 * NBUF + 2:3 * NBUF + 2]
    fsems = rest[3 * NBUF + 2:]

    wid = lax.axis_index("s") * NC + lax.axis_index("c")
    tc = wid // NBG
    bg = wid % NBG

    def row_base(g):
        return (bg * GB + g) * T + tc * C

    pos_copy = pltpu.async_copy(
        pos_hbm.at[pl.ds(tc * C, C)], spos.at[pl.ds(tc * C, C)], psem)
    idx_copy = pltpu.async_copy(
        x_hbm.at[pl.ds(bg * GB, GB), pl.ds(tc * C, C)], idx_v, isem)

    gathers = [None] * GB
    out_copies = [None] * NBUF

    prefills = [None] * GB

    def issue_prefill(g):
        buf = g % NBUF
        if out_copies[buf] is not None:
            out_copies[buf].wait()
            out_copies[buf] = None
        prefills[g] = pltpu.async_copy(
            spos.at[pl.ds(tc * C, C)], toks[buf], fsems[buf])

    def issue_gather(g):
        buf = g % NBUF
        prefills[g].wait()
        gathers[g] = pltpu.async_copy(
            tok_hbm.at[idx_v.at[g]], toks[buf], gsems[buf], add=True)

    pos_copy.wait()
    for p in range(DEPTH + 1):
        issue_prefill(p)
    idx_copy.wait()
    for p in range(DEPTH):
        issue_gather(p)
    for g in range(GB):
        buf = g % NBUF
        gathers[g].wait()
        out_copies[buf] = pltpu.async_copy(
            toks[buf], out_hbm.at[pl.ds(row_base(g), C)], osems[buf])
        if g + DEPTH + 1 < GB:
            issue_prefill(g + DEPTH + 1)
        if g + DEPTH < GB:
            issue_gather(g + DEPTH)

    for oc in out_copies:
        if oc is not None:
            oc.wait()


@jax.jit
def _emb_call(x2d, token_table, pos_table):
    mesh = plsc.VectorSubcoreMesh(
        core_axis_name="c", subcore_axis_name="s", num_cores=NC, num_subcores=NS
    )
    f = pl.kernel(
        _emb_body,
        out_type=jax.ShapeDtypeStruct((B * T, D), jnp.float32),
        mesh=mesh,
        scratch_types=[
            pltpu.VMEM((GB, C), jnp.int32),
            pltpu.VMEM_SHARED((T, D), jnp.float32),
        ] + [pltpu.VMEM((C, D), jnp.float32) for _ in range(NBUF)]
          + [pltpu.SemaphoreType.DMA for _ in range(2 + 3 * NBUF)],
    )
    return f(x2d, token_table, pos_table)


def kernel(x, token_table, pos_table):
    out = _emb_call(x.astype(jnp.int32), token_table, pos_table)
    return out.reshape(B, T, D)

# --- scband reference (transcript-rebuilt; emitter-appended) ---
"""Pipeline reference for scband-embedding-89180700934646 (READ-ONLY COPY).

The authoritative reference and input builder live on the scoring server;
editing this copy changes nothing except your own understanding.
"""

import jax, jax.numpy as jnp
import numpy as np

TOKEN_SIZE = 100000
EMBED_SIZE = 128
CONTEXT_LENGTH = 2048
BATCH = 32
SEQ = 2048


def setup_inputs(seed: int = 0) -> dict:
    key = jax.random.key(seed)
    k1, k2, k3 = jax.random.split(key, 3)
    x = jax.random.randint(k1, (BATCH, SEQ), 0, TOKEN_SIZE, dtype=jnp.int64 if jax.config.jax_enable_x64 else jnp.int32)
    token_table = jax.random.normal(k2, (TOKEN_SIZE, EMBED_SIZE), dtype=jnp.float32) * 0.02
    pos_table = jax.random.normal(k3, (CONTEXT_LENGTH, EMBED_SIZE), dtype=jnp.float32) * 0.02
    return {"x": x, "token_table": token_table, "pos_table": pos_table}


def reference(x, token_table, pos_table):
    b, t = x.shape
    token_embed = jnp.take(token_table, x, axis=0)  # [B, T, D]
    positional_embed = jnp.take(pos_table, jnp.arange(t), axis=0)  # [T, D]
    return token_embed + positional_embed[None, :, :]

if __name__ == "__main__":
    import jax
    _d = setup_inputs()
    print(jax.jit(kernel)(*tuple(_d.values())))

</pallas_src>

<mosaic_0001>
#map = affine_map<(d0, d1) -> (0, 0)>
module attributes {stable_mosaic.version = 14 : i64} {
  func.func @_emb_body(%arg0: i32, %arg1: i32, %arg2: memref<32x2048xi32, #tpu.memory_space<hbm>>, %arg3: memref<100000x128xf32, #tpu.memory_space<hbm>>, %arg4: memref<2048x128xf32, #tpu.memory_space<hbm>>, %arg5: memref<65536x128xf32, #tpu.memory_space<hbm>>, %arg6: memref<16x128xi32, #tpu.memory_space<vmem>>, %arg7: memref<2048x128xf32, #tpu.memory_space<vmem_shared>>, %arg8: memref<128x128xf32, #tpu.memory_space<vmem>>, %arg9: memref<128x128xf32, #tpu.memory_space<vmem>>, %arg10: memref<128x128xf32, #tpu.memory_space<vmem>>, %arg11: memref<128x128xf32, #tpu.memory_space<vmem>>, %arg12: memref<128x128xf32, #tpu.memory_space<vmem>>, %arg13: memref<128x128xf32, #tpu.memory_space<vmem>>, %arg14: memref<!tpu.dma_semaphore, #tpu.memory_space<semaphore_mem>>, %arg15: memref<!tpu.dma_semaphore, #tpu.memory_space<semaphore_mem>>, %arg16: memref<!tpu.dma_semaphore, #tpu.memory_space<semaphore_mem>>, %arg17: memref<!tpu.dma_semaphore, #tpu.memory_space<semaphore_mem>>, %arg18: memref<!tpu.dma_semaphore, #tpu.memory_space<semaphore_mem>>, %arg19: memref<!tpu.dma_semaphore, #tpu.memory_space<semaphore_mem>>, %arg20: memref<!tpu.dma_semaphore, #tpu.memory_space<semaphore_mem>>, %arg21: memref<!tpu.dma_semaphore, #tpu.memory_space<semaphore_mem>>, %arg22: memref<!tpu.dma_semaphore, #tpu.memory_space<semaphore_mem>>, %arg23: memref<!tpu.dma_semaphore, #tpu.memory_space<semaphore_mem>>, %arg24: memref<!tpu.dma_semaphore, #tpu.memory_space<semaphore_mem>>, %arg25: memref<!tpu.dma_semaphore, #tpu.memory_space<semaphore_mem>>, %arg26: memref<!tpu.dma_semaphore, #tpu.memory_space<semaphore_mem>>, %arg27: memref<!tpu.dma_semaphore, #tpu.memory_space<semaphore_mem>>, %arg28: memref<!tpu.dma_semaphore, #tpu.memory_space<semaphore_mem>>, %arg29: memref<!tpu.dma_semaphore, #tpu.memory_space<semaphore_mem>>, %arg30: memref<!tpu.dma_semaphore, #tpu.memory_space<semaphore_mem>>, %arg31: memref<!tpu.dma_semaphore, #tpu.memory_space<semaphore_mem>>, %arg32: memref<!tpu.dma_semaphore, #tpu.memory_space<semaphore_mem>>, %arg33: memref<!tpu.dma_semaphore, #tpu.memory_space<semaphore_mem>>) attributes {dimension_semantics = [#tpu.dimension_semantics<core_parallel>, #tpu.dimension_semantics<subcore_parallel>], iteration_bounds = array<i64: 2, 16>, scalar_prefetch = 0 : i64, scratch_operands = 28 : i64, tpu.core_type = #tpu.core_type<sc_vector_subcore>, window_params = [{transform_indices = #map}, {transform_indices = #map}, {transform_indices = #map}, {transform_indices = #map}]} {
    %mul3A = arith.constant 2 : i32
    %mul3A_0 = arith.muli %arg1, %mul3A : i32
    %add3A = arith.addi %mul3A_0, %arg0 : i32
    %jit3A = arith.constant 2 : i32
    %div3A = arith.divsi %add3A, %jit3A : i32
    %sign3A = arith.constant 0 : i32
    %sign3A_1 = arith.cmpi sgt, %add3A, %sign3A : i32
    %sign3A_2 = arith.extui %sign3A_1 : i1 to i32
    %sign3A_3 = arith.constant 0 : i32
    %sign3A_4 = arith.cmpi slt, %add3A, %sign3A_3 : i32
    %sign3A_5 = arith.extui %sign3A_4 : i1 to i32
    %sign3A_6 = arith.subi %sign3A_2, %sign3A_5 : i32
    %sign3A_7 = arith.constant 0 : i32
    %sign3A_8 = arith.cmpi sgt, %jit3A, %sign3A_7 : i32
    %sign3A_9 = arith.extui %sign3A_8 : i1 to i32
    %sign3A_10 = arith.constant 0 : i32
    %sign3A_11 = arith.cmpi slt, %jit3A, %sign3A_10 : i32
    %sign3A_12 = arith.extui %sign3A_11 : i1 to i32
    %sign3A_13 = arith.subi %sign3A_9, %sign3A_12 : i32
    %ne3A = arith.cmpi ne, %sign3A_6, %sign3A_13 : i32
    %rem3A = arith.remsi %add3A, %jit3A : i32
    %ne3A_14 = arith.constant 0 : i32
    %ne3A_15 = arith.cmpi ne, %rem3A, %ne3A_14 : i32
    %and3A = arith.andi %ne3A, %ne3A_15 : i1
    %sub3A = arith.constant 1 : i32
    %sub3A_16 = arith.subi %div3A, %sub3A : i32
    %select_n3A = arith.select %and3A, %sub3A_16, %div3A : i32
    %jit3A_17 = arith.constant 2 : i32
    %eq3A = arith.constant 0 : i32
    %eq3A_18 = arith.cmpi eq, %jit3A_17, %eq3A : i32
    %jit3A_19 = arith.constant 1 : i32
    %select_n3A_20 = arith.select %eq3A_18, %jit3A_19, %jit3A_17 : i32
    %rem3A_21 = arith.remsi %add3A, %select_n3A_20 : i32
    %ne3A_22 = arith.constant 0 : i32
    %ne3A_23 = arith.cmpi ne, %rem3A_21, %ne3A_22 : i32
    %lt3A = arith.constant 0 : i32
    %lt3A_24 = arith.cmpi slt, %rem3A_21, %lt3A : i32
    %lt3A_25 = arith.constant 0 : i32
    %lt3A_26 = arith.cmpi slt, %select_n3A_20, %lt3A_25 : i32
    %ne3A_27 = arith.xori %lt3A_24, %lt3A_26 : i1
    %and3A_28 = arith.andi %ne3A_27, %ne3A_23 : i1
    %add3A_29 = arith.addi %rem3A_21, %select_n3A_20 : i32
    %select_n3A_30 = arith.select %and3A_28, %add3A_29, %rem3A_21 : i32
    %mul3A_31 = arith.constant 128 : i32
    %mul3A_32 = arith.muli %select_n3A, %mul3A_31 : i32
    %mul3A_33 = arith.constant 128 : i32
    %mul3A_34 = arith.muli %select_n3A, %mul3A_33 : i32
    %dma_start3A = arith.constant 0 : i32
    %dma_start3A_35 = tpu.memref_slice %arg7[%mul3A_34, %dma_start3A] : memref<2048x128xf32, #tpu.memory_space<vmem_shared>> -> memref<128x128xf32, #tpu.memory_space<vmem_shared>>
    %dma_start3A_36 = arith.constant 0 : i32
    %dma_start3A_37 = tpu.memref_slice %arg4[%mul3A_32, %dma_start3A_36] : memref<2048x128xf32, #tpu.memory_space<hbm>> -> memref<128x128xf32, #tpu.memory_space<hbm>>
    tpu.enqueue_dma source(%dma_start3A_37 : memref<128x128xf32, #tpu.memory_space<hbm>>) target(%dma_start3A_35 : memref<128x128xf32, #tpu.memory_space<vmem_shared>>) target_semaphore(%arg14 : memref<!tpu.dma_semaphore, #tpu.memory_space<semaphore_mem>>)
    %mul3A_38 = arith.constant 16 : i32
    %mul3A_39 = arith.muli %select_n3A_30, %mul3A_38 : i32
    %mul3A_40 = arith.constant 128 : i32
    %mul3A_41 = arith.muli %select_n3A, %mul3A_40 : i32
    %dma_start3A_42 = tpu.memref_slice %arg2[%mul3A_39, %mul3A_41] : memref<32x2048xi32, #tpu.memory_space<hbm>> -> memref<16x128xi32, #tpu.memory_space<hbm>>
    %dma_start3A_43 = tpu.memref_slice %arg2[%mul3A_39, %mul3A_41] : memref<32x2048xi32, #tpu.memory_space<hbm>> -> memref<16x128xi32, #tpu.memory_space<hbm>>
    tpu.enqueue_dma source(%dma_start3A_43 : memref<16x128xi32, #tpu.memory_space<hbm>>) target(%arg6 : memref<16x128xi32, #tpu.memory_space<vmem>>) target_semaphore(%arg15 : memref<!tpu.dma_semaphore, #tpu.memory_space<semaphore_mem>>)
    %dma_wait3A = arith.constant 0 : i32
    %dma_wait3A_44 = tpu.memref_slice %arg7[%mul3A_34, %dma_wait3A] : memref<2048x128xf32, #tpu.memory_space<vmem_shared>> -> memref<128x128xf32, #tpu.memory_space<vmem_shared>>
    %dma_wait3A_45 = arith.constant 0 : i32
    %dma_wait3A_46 = tpu.memref_slice %arg4[%mul3A_32, %dma_wait3A_45] : memref<2048x128xf32, #tpu.memory_space<hbm>> -> memref<128x128xf32, #tpu.memory_space<hbm>>
    tpu.wait_dma2 semaphore(%arg14 : memref<!tpu.dma_semaphore, #tpu.memory_space<semaphore_mem>>) src(%dma_wait3A_46 : memref<128x128xf32, #tpu.memory_space<hbm>>) dst(%dma_wait3A_44 : memref<128x128xf32, #tpu.memory_space<vmem_shared>>)
    %mul3A_47 = arith.constant 128 : i32
    %mul3A_48 = arith.muli %select_n3A, %mul3A_47 : i32
    %dma_start3A_49 = arith.constant 0 : i32
    %dma_start3A_50 = tpu.memref_slice %arg7[%mul3A_48, %dma_start3A_49] : memref<2048x128xf32, #tpu.memory_space<vmem_shared>> -> memref<128x128xf32, #tpu.memory_space<vmem_shared>>
    %dma_start3A_51 = arith.constant 0 : i32
    %dma_start3A_52 = tpu.memref_slice %arg7[%mul3A_48, %dma_start3A_51] : memref<2048x128xf32, #tpu.memory_space<vmem_shared>> -> memref<128x128xf32, #tpu.memory_space<vmem_shared>>
    tpu.enqueue_dma source(%dma_start3A_52 : memref<128x128xf32, #tpu.memory_space<vmem_shared>>) target(%arg8 : memref<128x128xf32, #tpu.memory_space<vmem>>) target_semaphore(%arg28 : memref<!tpu.dma_semaphore, #tpu.memory_space<semaphore_mem>>)
    %mul3A_53 = arith.constant 128 : i32
    %mul3A_54 = arith.muli %select_n3A, %mul3A_53 : i32
    %dma_start3A_55 = arith.constant 0 : i32
    %dma_start3A_56 = tpu.memref_slice %arg7[%mul3A_54, %dma_start3A_55] : memref<2048x128xf32, #tpu.memory_space<vmem_shared>> -> memref<128x128xf32, #tpu.memory_space<vmem_shared>>
    %dma_start3A_57 = arith.constant 0 : i32
    %dma_start3A_58 = tpu.memref_slice %arg7[%mul3A_54, %dma_start3A_57] : memref<2048x128xf32, #tpu.memory_space<vmem_shared>> -> memref<128x128xf32, #tpu.memory_space<vmem_shared>>
    tpu.enqueue_dma source(%dma_start3A_58 : memref<128x128xf32, #tpu.memory_space<vmem_shared>>) target(%arg9 : memref<128x128xf32, #tpu.memory_space<vmem>>) target_semaphore(%arg29 : memref<!tpu.dma_semaphore, #tpu.memory_space<semaphore_mem>>)
    %mul3A_59 = arith.constant 128 : i32
    %mul3A_60 = arith.muli %select_n3A, %mul3A_59 : i32
    %dma_start3A_61 = arith.constant 0 : i32
    %dma_start3A_62 = tpu.memref_slice %arg7[%mul3A_60, %dma_start3A_61] : memref<2048x128xf32, #tpu.memory_space<vmem_shared>> -> memref<128x128xf32, #tpu.memory_space<vmem_shared>>
    %dma_start3A_63 = arith.constant 0 : i32
    %dma_start3A_64 = tpu.memref_slice %arg7[%mul3A_60, %dma_start3A_63] : memref<2048x128xf32, #tpu.memory_space<vmem_shared>> -> memref<128x128xf32, #tpu.memory_space<vmem_shared>>
    tpu.enqueue_dma source(%dma_start3A_64 : memref<128x128xf32, #tpu.memory_space<vmem_shared>>) target(%arg10 : memref<128x128xf32, #tpu.memory_space<vmem>>) target_semaphore(%arg30 : memref<!tpu.dma_semaphore, #tpu.memory_space<semaphore_mem>>)
    %mul3A_65 = arith.constant 128 : i32
    %mul3A_66 = arith.muli %select_n3A, %mul3A_65 : i32
    %dma_start3A_67 = arith.constant 0 : i32
    %dma_start3A_68 = tpu.memref_slice %arg7[%mul3A_66, %dma_start3A_67] : memref<2048x128xf32, #tpu.memory_space<vmem_shared>> -> memref<128x128xf32, #tpu.memory_space<vmem_shared>>
    %dma_start3A_69 = arith.constant 0 : i32
    %dma_start3A_70 = tpu.memref_slice %arg7[%mul3A_66, %dma_start3A_69] : memref<2048x128xf32, #tpu.memory_space<vmem_shared>> -> memref<128x128xf32, #tpu.memory_space<vmem_shared>>
    tpu.enqueue_dma source(%dma_start3A_70 : memref<128x128xf32, #tpu.memory_space<vmem_shared>>) target(%arg11 : memref<128x128xf32, #tpu.memory_space<vmem>>) target_semaphore(%arg31 : memref<!tpu.dma_semaphore, #tpu.memory_space<semaphore_mem>>)
    %mul3A_71 = arith.constant 128 : i32
    %mul3A_72 = arith.muli %select_n3A, %mul3A_71 : i32
    %dma_start3A_73 = arith.constant 0 : i32
    %dma_start3A_74 = tpu.memref_slice %arg7[%mul3A_72, %dma_start3A_73] : memref<2048x128xf32, #tpu.memory_space<vmem_shared>> -> memref<128x128xf32, #tpu.memory_space<vmem_shared>>
    %dma_start3A_75 = arith.constant 0 : i32
    %dma_start3A_76 = tpu.memref_slice %arg7[%mul3A_72, %dma_start3A_75] : memref<2048x128xf32, #tpu.memory_space<vmem_shared>> -> memref<128x128xf32, #tpu.memory_space<vmem_shared>>
    tpu.enqueue_dma source(%dma_start3A_76 : memref<128x128xf32, #tpu.memory_space<vmem_shared>>) target(%arg12 : memref<128x128xf32, #tpu.memory_space<vmem>>) target_semaphore(%arg32 : memref<!tpu.dma_semaphore, #tpu.memory_space<semaphore_mem>>)
    %mul3A_77 = arith.constant 128 : i32
    %mul3A_78 = arith.muli %select_n3A, %mul3A_77 : i32
    %dma_start3A_79 = arith.constant 0 : i32
    %dma_start3A_80 = tpu.memref_slice %arg7[%mul3A_78, %dma_start3A_79] : memref<2048x128xf32, #tpu.memory_space<vmem_shared>> -> memref<128x128xf32, #tpu.memory_space<vmem_shared>>
    %dma_start3A_81 = arith.constant 0 : i32
    %dma_start3A_82 = tpu.memref_slice %arg7[%mul3A_78, %dma_start3A_81] : memref<2048x128xf32, #tpu.memory_space<vmem_shared>> -> memref<128x128xf32, #tpu.memory_space<vmem_shared>>
    tpu.enqueue_dma source(%dma_start3A_82 : memref<128x128xf32, #tpu.memory_space<vmem_shared>>) target(%arg13 : memref<128x128xf32, #tpu.memory_space<vmem>>) target_semaphore(%arg33 : memref<!tpu.dma_semaphore, #tpu.memory_space<semaphore_mem>>)
    %dma_wait3A_83 = tpu.memref_slice %arg2[%mul3A_39, %mul3A_41] : memref<32x2048xi32, #tpu.memory_space<hbm>> -> memref<16x128xi32, #tpu.memory_space<hbm>>
    %dma_wait3A_84 = tpu.memref_slice %arg2[%mul3A_39, %mul3A_41] : memref<32x2048xi32, #tpu.memory_space<hbm>> -> memref<16x128xi32, #tpu.memory_space<hbm>>
    tpu.wait_dma2 semaphore(%arg15 : memref<!tpu.dma_semaphore, #tpu.memory_space<semaphore_mem>>) src(%dma_wait3A_84 : memref<16x128xi32, #tpu.memory_space<hbm>>) dst(%arg6 : memref<16x128xi32, #tpu.memory_space<vmem>>)
    %dma_wait3A_85 = arith.constant 0 : i32
    %dma_wait3A_86 = tpu.memref_slice %arg7[%mul3A_48, %dma_wait3A_85] : memref<2048x128xf32, #tpu.memory_space<vmem_shared>> -> memref<128x128xf32, #tpu.memory_space<vmem_shared>>
    %dma_wait3A_87 = arith.constant 0 : i32
    %dma_wait3A_88 = tpu.memref_slice %arg7[%mul3A_48, %dma_wait3A_87] : memref<2048x128xf32, #tpu.memory_space<vmem_shared>> -> memref<128x128xf32, #tpu.memory_space<vmem_shared>>
    tpu.wait_dma2 semaphore(%arg28 : memref<!tpu.dma_semaphore, #tpu.memory_space<semaphore_mem>>) src(%dma_wait3A_88 : memref<128x128xf32, #tpu.memory_space<vmem_shared>>) dst(%arg8 : memref<128x128xf32, #tpu.memory_space<vmem>>)
    %dma_start3A_89 = arith.constant 0 : i32
    %dma_start3A_90 = arith.constant 0 : i32
    %dma_start3A_91 = tpu.memref_slice %arg6[%dma_start3A_89, %dma_start3A_90] : memref<16x128xi32, #tpu.memory_space<vmem>> -> memref<1x128xi32, #tpu.memory_space<vmem>>
    %dma_start3A_92 = tpu.memref_squeeze %dma_start3A_91 : memref<1x128xi32, #tpu.memory_space<vmem>> -> memref<128xi32, #tpu.memory_space<vmem>>
    %dma_start3A_93 = arith.constant 0 : i32
    %dma_start3A_94 = arith.constant 0 : i32
    %dma_start3A_95 = tpu.memref_slice %arg3[%dma_start3A_93, %dma_start3A_94] : memref<100000x128xf32, #tpu.memory_space<hbm>> -> memref<100000x128xf32, #tpu.memory_space<hbm>>
    tpu.enqueue_indirect_dma source(%dma_start3A_95 : memref<100000x128xf32, #tpu.memory_space<hbm>>) target(%arg8 : memref<128x128xf32, #tpu.memory_space<vmem>>) offsets(%dma_start3A_92 : memref<128xi32, #tpu.memory_space<vmem>>) semaphore(%arg16 : memref<!tpu.dma_semaphore, #tpu.memory_space<semaphore_mem>>) {add = true}
    %dma_wait3A_96 = arith.constant 0 : i32
    %dma_wait3A_97 = tpu.memref_slice %arg7[%mul3A_54, %dma_wait3A_96] : memref<2048x128xf32, #tpu.memory_space<vmem_shared>> -> memref<128x128xf32, #tpu.memory_space<vmem_shared>>
    %dma_wait3A_98 = arith.constant 0 : i32
    %dma_wait3A_99 = tpu.memref_slice %arg7[%mul3A_54, %dma_wait3A_98] : memref<2048x128xf32, #tpu.memory_space<vmem_shared>> -> memref<128x128xf32, #tpu.memory_space<vmem_shared>>
    tpu.wait_dma2 semaphore(%arg29 : memref<!tpu.dma_semaphore, #tpu.memory_space<semaphore_mem>>) src(%dma_wait3A_99 : memref<128x128xf32, #tpu.memory_space<vmem_shared>>) dst(%arg9 : memref<128x128xf32, #tpu.memory_space<vmem>>)
    %dma_start3A_100 = arith.constant 1 : i32
    %dma_start3A_101 = arith.constant 0 : i32
    %dma_start3A_102 = tpu.memref_slice %arg6[%dma_start3A_100, %dma_start3A_101] : memref<16x128xi32, #tpu.memory_space<vmem>> -> memref<1x128xi32, #tpu.memory_space<vmem>>
    %dma_start3A_103 = tpu.memref_squeeze %dma_start3A_102 : memref<1x128xi32, #tpu.memory_space<vmem>> -> memref<128xi32, #tpu.memory_space<vmem>>
    %dma_start3A_104 = arith.constant 0 : i32
    %dma_start3A_105 = arith.constant 0 : i32
    %dma_start3A_106 = tpu.memref_slice %arg3[%dma_start3A_104, %dma_start3A_105] : memref<100000x128xf32, #tpu.memory_space<hbm>> -> memref<100000x128xf32, #tpu.memory_space<hbm>>
    tpu.enqueue_indirect_dma source(%dma_start3A_106 : memref<100000x128xf32, #tpu.memory_space<hbm>>) target(%arg9 : memref<128x128xf32, #tpu.memory_space<vmem>>) offsets(%dma_start3A_103 : memref<128xi32, #tpu.memory_space<vmem>>) semaphore(%arg17 : memref<!tpu.dma_semaphore, #tpu.memory_space<semaphore_mem>>) {add = true}
    %dma_wait3A_107 = arith.constant 0 : i32
    %dma_wait3A_108 = tpu.memref_slice %arg7[%mul3A_60, %dma_wait3A_107] : memref<2048x128xf32, #tpu.memory_space<vmem_shared>> -> memref<128x128xf32, #tpu.memory_space<vmem_shared>>
    %dma_wait3A_109 = arith.constant 0 : i32
    %dma_wait3A_110 = tpu.memref_slice %arg7[%mul3A_60, %dma_wait3A_109] : memref<2048x128xf32, #tpu.memory_space<vmem_shared>> -> memref<128x128xf32, #tpu.memory_space<vmem_shared>>
    tpu.wait_dma2 semaphore(%arg30 : memref<!tpu.dma_semaphore, #tpu.memory_space<semaphore_mem>>) src(%dma_wait3A_110 : memref<128x128xf32, #tpu.memory_space<vmem_shared>>) dst(%arg10 : memref<128x128xf32, #tpu.memory_space<vmem>>)
    %dma_start3A_111 = arith.constant 2 : i32
    %dma_start3A_112 = arith.constant 0 : i32
    %dma_start3A_113 = tpu.memref_slice %arg6[%dma_start3A_111, %dma_start3A_112] : memref<16x128xi32, #tpu.memory_space<vmem>> -> memref<1x128xi32, #tpu.memory_space<vmem>>
    %dma_start3A_114 = tpu.memref_squeeze %dma_start3A_113 : memref<1x128xi32, #tpu.memory_space<vmem>> -> memref<128xi32, #tpu.memory_space<vmem>>
    %dma_start3A_115 = arith.constant 0 : i32
    %dma_start3A_116 = arith.constant 0 : i32
    %dma_start3A_117 = tpu.memref_slice %arg3[%dma_start3A_115, %dma_start3A_116] : memref<100000x128xf32, #tpu.memory_space<hbm>> -> memref<100000x128xf32, #tpu.memory_space<hbm>>
    tpu.enqueue_indirect_dma source(%dma_start3A_117 : memref<100000x128xf32, #tpu.memory_space<hbm>>) target(%arg10 : memref<128x128xf32, #tpu.memory_space<vmem>>) offsets(%dma_start3A_114 : memref<128xi32, #tpu.memory_space<vmem>>) semaphore(%arg18 : memref<!tpu.dma_semaphore, #tpu.memory_space<semaphore_mem>>) {add = true}
    %dma_wait3A_118 = arith.constant 0 : i32
    %dma_wait3A_119 = tpu.memref_slice %arg7[%mul3A_66, %dma_wait3A_118] : memref<2048x128xf32, #tpu.memory_space<vmem_shared>> -> memref<128x128xf32, #tpu.memory_space<vmem_shared>>
    %dma_wait3A_120 = arith.constant 0 : i32
    %dma_wait3A_121 = tpu.memref_slice %arg7[%mul3A_66, %dma_wait3A_120] : memref<2048x128xf32, #tpu.memory_space<vmem_shared>> -> memref<128x128xf32, #tpu.memory_space<vmem_shared>>
    tpu.wait_dma2 semaphore(%arg31 : memref<!tpu.dma_semaphore, #tpu.memory_space<semaphore_mem>>) src(%dma_wait3A_121 : memref<128x128xf32, #tpu.memory_space<vmem_shared>>) dst(%arg11 : memref<128x128xf32, #tpu.memory_space<vmem>>)
    %dma_start3A_122 = arith.constant 3 : i32
    %dma_start3A_123 = arith.constant 0 : i32
    %dma_start3A_124 = tpu.memref_slice %arg6[%dma_start3A_122, %dma_start3A_123] : memref<16x128xi32, #tpu.memory_space<vmem>> -> memref<1x128xi32, #tpu.memory_space<vmem>>
    %dma_start3A_125 = tpu.memref_squeeze %dma_start3A_124 : memref<1x128xi32, #tpu.memory_space<vmem>> -> memref<128xi32, #tpu.memory_space<vmem>>
    %dma_start3A_126 = arith.constant 0 : i32
    %dma_start3A_127 = arith.constant 0 : i32
    %dma_start3A_128 = tpu.memref_slice %arg3[%dma_start3A_126, %dma_start3A_127] : memref<100000x128xf32, #tpu.memory_space<hbm>> -> memref<100000x128xf32, #tpu.memory_space<hbm>>
    tpu.enqueue_indirect_dma source(%dma_start3A_128 : memref<100000x128xf32, #tpu.memory_space<hbm>>) target(%arg11 : memref<128x128xf32, #tpu.memory_space<vmem>>) offsets(%dma_start3A_125 : memref<128xi32, #tpu.memory_space<vmem>>) semaphore(%arg19 : memref<!tpu.dma_semaphore, #tpu.memory_space<semaphore_mem>>) {add = true}
    %dma_wait3A_129 = arith.constant 0 : i32
    %dma_wait3A_130 = tpu.memref_slice %arg7[%mul3A_72, %dma_wait3A_129] : memref<2048x128xf32, #tpu.memory_space<vmem_shared>> -> memref<128x128xf32, #tpu.memory_space<vmem_shared>>
    %dma_wait3A_131 = arith.constant 0 : i32
    %dma_wait3A_132 = tpu.memref_slice %arg7[%mul3A_72, %dma_wait3A_131] : memref<2048x128xf32, #tpu.memory_space<vmem_shared>> -> memref<128x128xf32, #tpu.memory_space<vmem_shared>>
    tpu.wait_dma2 semaphore(%arg32 : memref<!tpu.dma_semaphore, #tpu.memory_space<semaphore_mem>>) src(%dma_wait3A_132 : memref<128x128xf32, #tpu.memory_space<vmem_shared>>) dst(%arg12 : memref<128x128xf32, #tpu.memory_space<vmem>>)
    %dma_start3A_133 = arith.constant 4 : i32
    %dma_start3A_134 = arith.constant 0 : i32
    %dma_start3A_135 = tpu.memref_slice %arg6[%dma_start3A_133, %dma_start3A_134] : memref<16x128xi32, #tpu.memory_space<vmem>> -> memref<1x128xi32, #tpu.memory_space<vmem>>
    %dma_start3A_136 = tpu.memref_squeeze %dma_start3A_135 : memref<1x128xi32, #tpu.memory_space<vmem>> -> memref<128xi32, #tpu.memory_space<vmem>>
    %dma_start3A_137 = arith.constant 0 : i32
    %dma_start3A_138 = arith.constant 0 : i32
    %dma_start3A_139 = tpu.memref_slice %arg3[%dma_start3A_137, %dma_start3A_138] : memref<100000x128xf32, #tpu.memory_space<hbm>> -> memref<100000x128xf32, #tpu.memory_space<hbm>>
    tpu.enqueue_indirect_dma source(%dma_start3A_139 : memref<100000x128xf32, #tpu.memory_space<hbm>>) target(%arg12 : memref<128x128xf32, #tpu.memory_space<vmem>>) offsets(%dma_start3A_136 : memref<128xi32, #tpu.memory_space<vmem>>) semaphore(%arg20 : memref<!tpu.dma_semaphore, #tpu.memory_space<semaphore_mem>>) {add = true}
    %dma_wait3A_140 = arith.constant 0 : i32
    %dma_wait3A_141 = arith.constant 0 : i32
    %dma_wait3A_142 = tpu.memref_slice %arg6[%dma_wait3A_140, %dma_wait3A_141] : memref<16x128xi32, #tpu.memory_space<vmem>> -> memref<1x128xi32, #tpu.memory_space<vmem>>
    %dma_wait3A_143 = tpu.memref_squeeze %dma_wait3A_142 : memref<1x128xi32, #tpu.memory_space<vmem>> -> memref<128xi32, #tpu.memory_space<vmem>>
    %dma_wait3A_144 = arith.constant 0 : i32
    %dma_wait3A_145 = arith.constant 0 : i32
    %dma_wait3A_146 = tpu.memref_slice %arg3[%dma_wait3A_144, %dma_wait3A_145] : memref<100000x128xf32, #tpu.memory_space<hbm>> -> memref<100000x128xf32, #tpu.memory_space<hbm>>
    tpu.wait_indirect_dma semaphore(%arg16 : memref<!tpu.dma_semaphore, #tpu.memory_space<semaphore_mem>>) src(%dma_wait3A_146 : memref<100000x128xf32, #tpu.memory_space<hbm>>) dst(%arg8 : memref<128x128xf32, #tpu.memory_space<vmem>>)
    %mul3A_147 = arith.constant 16 : i32
    %mul3A_148 = arith.muli %select_n3A_30, %mul3A_147 : i32
    %add3A_149 = arith.constant 0 : i32
    %add3A_150 = arith.addi %mul3A_148, %add3A_149 : i32
    %mul3A_151 = arith.constant 2048 : i32
    %mul3A_152 = arith.muli %add3A_150, %mul3A_151 : i32
    %mul3A_153 = arith.constant 128 : i32
    %mul3A_154 = arith.muli %select_n3A, %mul3A_153 : i32
    %add3A_155 = arith.addi %mul3A_152, %mul3A_154 : i32
    %dma_start3A_156 = arith.constant 0 : i32
    %dma_start3A_157 = tpu.memref_slice %arg5[%add3A_155, %dma_start3A_156] : memref<65536x128xf32, #tpu.memory_space<hbm>> -> memref<128x128xf32, #tpu.memory_space<hbm>>
    %dma_start3A_158 = arith.constant 0 : i32
    %dma_start3A_159 = tpu.memref_slice %arg5[%add3A_155, %dma_start3A_158] : memref<65536x128xf32, #tpu.memory_space<hbm>> -> memref<128x128xf32, #tpu.memory_space<hbm>>
    tpu.enqueue_dma source(%arg8 : memref<128x128xf32, #tpu.memory_space<vmem>>) target(%dma_start3A_159 : memref<128x128xf32, #tpu.memory_space<hbm>>) target_semaphore(%arg22 : memref<!tpu.dma_semaphore, #tpu.memory_space<semaphore_mem>>)
    %dma_wait3A_160 = arith.constant 0 : i32
    %dma_wait3A_161 = tpu.memref_slice %arg5[%add3A_155, %dma_wait3A_160] : memref<65536x128xf32, #tpu.memory_space<hbm>> -> memref<128x128xf32, #tpu.memory_space<hbm>>
    %dma_wait3A_162 = arith.constant 0 : i32
    %dma_wait3A_163 = tpu.memref_slice %arg5[%add3A_155, %dma_wait3A_162] : memref<65536x128xf32, #tpu.memory_space<hbm>> -> memref<128x128xf32, #tpu.memory_space<hbm>>
    tpu.wait_dma2 semaphore(%arg22 : memref<!tpu.dma_semaphore, #tpu.memory_space<semaphore_mem>>) src(%arg8 : memref<128x128xf32, #tpu.memory_space<vmem>>) dst(%dma_wait3A_163 : memref<128x128xf32, #tpu.memory_space<hbm>>)
    %mul3A_164 = arith.constant 128 : i32
    %mul3A_165 = arith.muli %select_n3A, %mul3A_164 : i32
    %dma_start3A_166 = arith.constant 0 : i32
    %dma_start3A_167 = tpu.memref_slice %arg7[%mul3A_165, %dma_start3A_166] : memref<2048x128xf32, #tpu.memory_space<vmem_shared>> -> memref<128x128xf32, #tpu.memory_space<vmem_shared>>
    %dma_start3A_168 = arith.constant 0 : i32
    %dma_start3A_169 = tpu.memref_slice %arg7[%mul3A_165, %dma_start3A_168] : memref<2048x128xf32, #tpu.memory_space<vmem_shared>> -> memref<128x128xf32, #tpu.memory_space<vmem_shared>>
    tpu.enqueue_dma source(%dma_start3A_169 : memref<128x128xf32, #tpu.memory_space<vmem_shared>>) target(%arg8 : memref<128x128xf32, #tpu.memory_space<vmem>>) target_semaphore(%arg28 : memref<!tpu.dma_semaphore, #tpu.memory_space<semaphore_mem>>)
    %dma_wait3A_170 = arith.constant 0 : i32
    %dma_wait3A_171 = tpu.memref_slice %arg7[%mul3A_78, %dma_wait3A_170] : memref<2048x128xf32, #tpu.memory_space<vmem_shared>> -> memref<128x128xf32, #tpu.memory_space<vmem_shared>>
    %dma_wait3A_172 = arith.constant 0 : i32
    %dma_wait3A_173 = tpu.memref_slice %arg7[%mul3A_78, %dma_wait3A_172] : memref<2048x128xf32, #tpu.memory_space<vmem_shared>> -> memref<128x128xf32, #tpu.memory_space<vmem_shared>>
    tpu.wait_dma2 semaphore(%arg33 : memref<!tpu.dma_semaphore, #tpu.memory_space<semaphore_mem>>) src(%dma_wait3A_173 : memref<128x128xf32, #tpu.memory_space<vmem_shared>>) dst(%arg13 : memref<128x128xf32, #tpu.memory_space<vmem>>)
    %dma_start3A_174 = arith.constant 5 : i32
    %dma_start3A_175 = arith.constant 0 : i32
    %dma_start3A_176 = tpu.memref_slice %arg6[%dma_start3A_174, %dma_start3A_175] : memref<16x128xi32, #tpu.memory_space<vmem>> -> memref<1x128xi32, #tpu.memory_space<vmem>>
    %dma_start3A_177 = tpu.memref_squeeze %dma_start3A_176 : memref<1x128xi32, #tpu.memory_space<vmem>> -> memref<128xi32, #tpu.memory_space<vmem>>
    %dma_start3A_178 = arith.constant 0 : i32
    %dma_start3A_179 = arith.constant 0 : i32
    %dma_start3A_180 = tpu.memref_slice %arg3[%dma_start3A_178, %dma_start3A_179] : memref<100000x128xf32, #tpu.memory_space<hbm>> -> memref<100000x128xf32, #tpu.memory_space<hbm>>
    tpu.enqueue_indirect_dma source(%dma_start3A_180 : memref<100000x128xf32, #tpu.memory_space<hbm>>) target(%arg13 : memref<128x128xf32, #tpu.memory_space<vmem>>) offsets(%dma_start3A_177 : memref<128xi32, #tpu.memory_space<vmem>>) semaphore(%arg21 : memref<!tpu.dma_semaphore, #tpu.memory_space<semaphore_mem>>) {add = true}
    %dma_wait3A_181 = arith.constant 1 : i32
    %dma_wait3A_182 = arith.constant 0 : i32
    %dma_wait3A_183 = tpu.memref_slice %arg6[%dma_wait3A_181, %dma_wait3A_182] : memref<16x128xi32, #tpu.memory_space<vmem>> -> memref<1x128xi32, #tpu.memory_space<vmem>>
    %dma_wait3A_184 = tpu.memref_squeeze %dma_wait3A_183 : memref<1x128xi32, #tpu.memory_space<vmem>> -> memref<128xi32, #tpu.memory_space<vmem>>
    %dma_wait3A_185 = arith.constant 0 : i32
    %dma_wait3A_186 = arith.constant 0 : i32
    %dma_wait3A_187 = tpu.memref_slice %arg3[%dma_wait3A_185, %dma_wait3A_186] : memref<100000x128xf32, #tpu.memory_space<hbm>> -> memref<100000x128xf32, #tpu.memory_space<hbm>>
    tpu.wait_indirect_dma semaphore(%arg17 : memref<!tpu.dma_semaphore, #tpu.memory_space<semaphore_mem>>) src(%dma_wait3A_187 : memref<100000x128xf32, #tpu.memory_space<hbm>>) dst(%arg9 : memref<128x128xf32, #tpu.memory_space<vmem>>)
    %mul3A_188 = arith.constant 16 : i32
    %mul3A_189 = arith.muli %select_n3A_30, %mul3A_188 : i32
    %add3A_190 = arith.constant 1 : i32
    %add3A_191 = arith.addi %mul3A_189, %add3A_190 : i32
    %mul3A_192 = arith.constant 2048 : i32
    %mul3A_193 = arith.muli %add3A_191, %mul3A_192 : i32
    %mul3A_194 = arith.constant 128 : i32
    %mul3A_195 = arith.muli %select_n3A, %mul3A_194 : i32
    %add3A_196 = arith.addi %mul3A_193, %mul3A_195 : i32
    %dma_start3A_197 = arith.constant 0 : i32
    %dma_start3A_198 = tpu.memref_slice %arg5[%add3A_196, %dma_start3A_197] : memref<65536x128xf32, #tpu.memory_space<hbm>> -> memref<128x128xf32, #tpu.memory_space<hbm>>
    %dma_start3A_199 = arith.constant 0 : i32
    %dma_start3A_200 = tpu.memref_slice %arg5[%add3A_196, %dma_start3A_199] : memref<65536x128xf32, #tpu.memory_space<hbm>> -> memref<128x128xf32, #tpu.memory_space<hbm>>
    tpu.enqueue_dma source(%arg9 : memref<128x128xf32, #tpu.memory_space<vmem>>) target(%dma_start3A_200 : memref<128x128xf32, #tpu.memory_space<hbm>>) target_semaphore(%arg23 : memref<!tpu.dma_semaphore, #tpu.memory_space<semaphore_mem>>)
    %dma_wait3A_201 = arith.constant 0 : i32
    %dma_wait3A_202 = tpu.memref_slice %arg5[%add3A_196, %dma_wait3A_201] : memref<65536x128xf32, #tpu.memory_space<hbm>> -> memref<128x128xf32, #tpu.memory_space<hbm>>
    %dma_wait3A_203 = arith.constant 0 : i32
    %dma_wait3A_204 = tpu.memref_slice %arg5[%add3A_196, %dma_wait3A_203] : memref<65536x128xf32, #tpu.memory_space<hbm>> -> memref<128x128xf32, #tpu.memory_space<hbm>>
    tpu.wait_dma2 semaphore(%arg23 : memref<!tpu.dma_semaphore, #tpu.memory_space<semaphore_mem>>) src(%arg9 : memref<128x128xf32, #tpu.memory_space<vmem>>) dst(%dma_wait3A_204 : memref<128x128xf32, #tpu.memory_space<hbm>>)
    %mul3A_205 = arith.constant 128 : i32
    %mul3A_206 = arith.muli %select_n3A, %mul3A_205 : i32
    %dma_start3A_207 = arith.constant 0 : i32
    %dma_start3A_208 = tpu.memref_slice %arg7[%mul3A_206, %dma_start3A_207] : memref<2048x128xf32, #tpu.memory_space<vmem_shared>> -> memref<128x128xf32, #tpu.memory_space<vmem_shared>>
    %dma_start3A_209 = arith.constant 0 : i32
    %dma_start3A_210 = tpu.memref_slice %arg7[%mul3A_206, %dma_start3A_209] : memref<2048x128xf32, #tpu.memory_space<vmem_shared>> -> memref<128x128xf32, #tpu.memory_space<vmem_shared>>
    tpu.enqueue_dma source(%dma_start3A_210 : memref<128x128xf32, #tpu.memory_space<vmem_shared>>) target(%arg9 : memref<128x128xf32, #tpu.memory_space<vmem>>) target_semaphore(%arg29 : memref<!tpu.dma_semaphore, #tpu.memory_space<semaphore_mem>>)
    %dma_wait3A_211 = arith.constant 0 : i32
    %dma_wait3A_212 = tpu.memref_slice %arg7[%mul3A_165, %dma_wait3A_211] : memref<2048x128xf32, #tpu.memory_space<vmem_shared>> -> memref<128x128xf32, #tpu.memory_space<vmem_shared>>
    %dma_wait3A_213 = arith.constant 0 : i32
    %dma_wait3A_214 = tpu.memref_slice %arg7[%mul3A_165, %dma_wait3A_213] : memref<2048x128xf32, #tpu.memory_space<vmem_shared>> -> memref<128x128xf32, #tpu.memory_space<vmem_shared>>
    tpu.wait_dma2 semaphore(%arg28 : memref<!tpu.dma_semaphore, #tpu.memory_space<semaphore_mem>>) src(%dma_wait3A_214 : memref<128x128xf32, #tpu.memory_space<vmem_shared>>) dst(%arg8 : memref<128x128xf32, #tpu.memory_space<vmem>>)
    %dma_start3A_215 = arith.constant 6 : i32
    %dma_start3A_216 = arith.constant 0 : i32
    %dma_start3A_217 = tpu.memref_slice %arg6[%dma_start3A_215, %dma_start3A_216] : memref<16x128xi32, #tpu.memory_space<vmem>> -> memref<1x128xi32, #tpu.memory_space<vmem>>
    %dma_start3A_218 = tpu.memref_squeeze %dma_start3A_217 : memref<1x128xi32, #tpu.memory_space<vmem>> -> memref<128xi32, #tpu.memory_space<vmem>>
    %dma_start3A_219 = arith.constant 0 : i32
    %dma_start3A_220 = arith.constant 0 : i32
    %dma_start3A_221 = tpu.memref_slice %arg3[%dma_start3A_219, %dma_start3A_220] : memref<100000x128xf32, #tpu.memory_space<hbm>> -> memref<100000x128xf32, #tpu.memory_space<hbm>>
    tpu.enqueue_indirect_dma source(%dma_start3A_221 : memref<100000x128xf32, #tpu.memory_space<hbm>>) target(%arg8 : memref<128x128xf32, #tpu.memory_space<vmem>>) offsets(%dma_start3A_218 : memref<128xi32, #tpu.memory_space<vmem>>) semaphore(%arg16 : memref<!tpu.dma_semaphore, #tpu.memory_space<semaphore_mem>>) {add = true}
    %dma_wait3A_222 = arith.constant 2 : i32
    %dma_wait3A_223 = arith.constant 0 : i32
    %dma_wait3A_224 = tpu.memref_slice %arg6[%dma_wait3A_222, %dma_wait3A_223] : memref<16x128xi32, #tpu.memory_space<vmem>> -> memref<1x128xi32, #tpu.memory_space<vmem>>
    %dma_wait3A_225 = tpu.memref_squeeze %dma_wait3A_224 : memref<1x128xi32, #tpu.memory_space<vmem>> -> memref<128xi32, #tpu.memory_space<vmem>>
    %dma_wait3A_226 = arith.constant 0 : i32
    %dma_wait3A_227 = arith.constant 0 : i32
    %dma_wait3A_228 = tpu.memref_slice %arg3[%dma_wait3A_226, %dma_wait3A_227] : memref<100000x128xf32, #tpu.memory_space<hbm>> -> memref<100000x128xf32, #tpu.memory_space<hbm>>
    tpu.wait_indirect_dma semaphore(%arg18 : memref<!tpu.dma_semaphore, #tpu.memory_space<semaphore_mem>>) src(%dma_wait3A_228 : memref<100000x128xf32, #tpu.memory_space<hbm>>) dst(%arg10 : memref<128x128xf32, #tpu.memory_space<vmem>>)
    %mul3A_229 = arith.constant 16 : i32
    %mul3A_230 = arith.muli %select_n3A_30, %mul3A_229 : i32
    %add3A_231 = arith.constant 2 : i32
    %add3A_232 = arith.addi %mul3A_230, %add3A_231 : i32
    %mul3A_233 = arith.constant 2048 : i32
    %mul3A_234 = arith.muli %add3A_232, %mul3A_233 : i32
    %mul3A_235 = arith.constant 128 : i32
    %mul3A_236 = arith.muli %select_n3A, %mul3A_235 : i32
    %add3A_237 = arith.addi %mul3A_234, %mul3A_236 : i32
    %dma_start3A_238 = arith.constant 0 : i32
    %dma_start3A_239 = tpu.memref_slice %arg5[%add3A_237, %dma_start3A_238] : memref<65536x128xf32, #tpu.memory_space<hbm>> -> memref<128x128xf32, #tpu.memory_space<hbm>>
    %dma_start3A_240 = arith.constant 0 : i32
    %dma_start3A_241 = tpu.memref_slice %arg5[%add3A_237, %dma_start3A_240] : memref<65536x128xf32, #tpu.memory_space<hbm>> -> memref<128x128xf32, #tpu.memory_space<hbm>>
    tpu.enqueue_dma source(%arg10 : memref<128x128xf32, #tpu.memory_space<vmem>>) target(%dma_start3A_241 : memref<128x128xf32, #tpu.memory_space<hbm>>) target_semaphore(%arg24 : memref<!tpu.dma_semaphore, #tpu.memory_space<semaphore_mem>>)
    %dma_wait3A_242 = arith.constant 0 : i32
    %dma_wait3A_243 = tpu.memref_slice %arg5[%add3A_237, %dma_wait3A_242] : memref<65536x128xf32, #tpu.memory_space<hbm>> -> memref<128x128xf32, #tpu.memory_space<hbm>>
    %dma_wait3A_244 = arith.constant 0 : i32
    %dma_wait3A_245 = tpu.memref_slice %arg5[%add3A_237, %dma_wait3A_244] : memref<65536x128xf32, #tpu.memory_space<hbm>> -> memref<128x128xf32, #tpu.memory_space<hbm>>
    tpu.wait_dma2 semaphore(%arg24 : memref<!tpu.dma_semaphore, #tpu.memory_space<semaphore_mem>>) src(%arg10 : memref<128x128xf32, #tpu.memory_space<vmem>>) dst(%dma_wait3A_245 : memref<128x128xf32, #tpu.memory_space<hbm>>)
    %mul3A_246 = arith.constant 128 : i32
    %mul3A_247 = arith.muli %select_n3A, %mul3A_246 : i32
    %dma_start3A_248 = arith.constant 0 : i32
    %dma_start3A_249 = tpu.memref_slice %arg7[%mul3A_247, %dma_start3A_248] : memref<2048x128xf32, #tpu.memory_space<vmem_shared>> -> memref<128x128xf32, #tpu.memory_space<vmem_shared>>
    %dma_start3A_250 = arith.constant 0 : i32
    %dma_start3A_251 = tpu.memref_slice %arg7[%mul3A_247, %dma_start3A_250] : memref<2048x128xf32, #tpu.memory_space<vmem_shared>> -> memref<128x128xf32, #tpu.memory_space<vmem_shared>>
    tpu.enqueue_dma source(%dma_start3A_251 : memref<128x128xf32, #tpu.memory_space<vmem_shared>>) target(%arg10 : memref<128x128xf32, #tpu.memory_space<vmem>>) target_semaphore(%arg30 : memref<!tpu.dma_semaphore, #tpu.memory_space<semaphore_mem>>)
    %dma_wait3A_252 = arith.constant 0 : i32
    %dma_wait3A_253 = tpu.memref_slice %arg7[%mul3A_206, %dma_wait3A_252] : memref<2048x128xf32, #tpu.memory_space<vmem_shared>> -> memref<128x128xf32, #tpu.memory_space<vmem_shared>>
    %dma_wait3A_254 = arith.constant 0 : i32
    %dma_wait3A_255 = tpu.memref_slice %arg7[%mul3A_206, %dma_wait3A_254] : memref<2048x128xf32, #tpu.memory_space<vmem_shared>> -> memref<128x128xf32, #tpu.memory_space<vmem_shared>>
    tpu.wait_dma2 semaphore(%arg29 : memref<!tpu.dma_semaphore, #tpu.memory_space<semaphore_mem>>) src(%dma_wait3A_255 : memref<128x128xf32, #tpu.memory_space<vmem_shared>>) dst(%arg9 : memref<128x128xf32, #tpu.memory_space<vmem>>)
    %dma_start3A_256 = arith.constant 7 : i32
    %dma_start3A_257 = arith.constant 0 : i32
    %dma_start3A_258 = tpu.memref_slice %arg6[%dma_start3A_256, %dma_start3A_257] : memref<16x128xi32, #tpu.memory_space<vmem>> -> memref<1x128xi32, #tpu.memory_space<vmem>>
    %dma_start3A_259 = tpu.memref_squeeze %dma_start3A_258 : memref<1x128xi32, #tpu.memory_space<vmem>> -> memref<128xi32, #tpu.memory_space<vmem>>
    %dma_start3A_260 = arith.constant 0 : i32
    %dma_start3A_261 = arith.constant 0 : i32
    %dma_start3A_262 = tpu.memref_slice %arg3[%dma_start3A_260, %dma_start3A_261] : memref<100000x128xf32, #tpu.memory_space<hbm>> -> memref<100000x128xf32, #tpu.memory_space<hbm>>
    tpu.enqueue_indirect_dma source(%dma_start3A_262 : memref<100000x128xf32, #tpu.memory_space<hbm>>) target(%arg9 : memref<128x128xf32, #tpu.memory_space<vmem>>) offsets(%dma_start3A_259 : memref<128xi32, #tpu.memory_space<vmem>>) semaphore(%arg17 : memref<!tpu.dma_semaphore, #tpu.memory_space<semaphore_mem>>) {add = true}
    %dma_wait3A_263 = arith.constant 3 : i32
    %dma_wait3A_264 = arith.constant 0 : i32
    %dma_wait3A_265 = tpu.memref_slice %arg6[%dma_wait3A_263, %dma_wait3A_264] : memref<16x128xi32, #tpu.memory_space<vmem>> -> memref<1x128xi32, #tpu.memory_space<vmem>>
    %dma_wait3A_266 = tpu.memref_squeeze %dma_wait3A_265 : memref<1x128xi32, #tpu.memory_space<vmem>> -> memref<128xi32, #tpu.memory_space<vmem>>
    %dma_wait3A_267 = arith.constant 0 : i32
    %dma_wait3A_268 = arith.constant 0 : i32
    %dma_wait3A_269 = tpu.memref_slice %arg3[%dma_wait3A_267, %dma_wait3A_268] : memref<100000x128xf32, #tpu.memory_space<hbm>> -> memref<100000x128xf32, #tpu.memory_space<hbm>>
    tpu.wait_indirect_dma semaphore(%arg19 : memref<!tpu.dma_semaphore, #tpu.memory_space<semaphore_mem>>) src(%dma_wait3A_269 : memref<100000x128xf32, #tpu.memory_space<hbm>>) dst(%arg11 : memref<128x128xf32, #tpu.memory_space<vmem>>)
    %mul3A_270 = arith.constant 16 : i32
    %mul3A_271 = arith.muli %select_n3A_30, %mul3A_270 : i32
    %add3A_272 = arith.constant 3 : i32
    %add3A_273 = arith.addi %mul3A_271, %add3A_272 : i32
    %mul3A_274 = arith.constant 2048 : i32
    %mul3A_275 = arith.muli %add3A_273, %mul3A_274 : i32
    %mul3A_276 = arith.constant 128 : i32
    %mul3A_277 = arith.muli %select_n3A, %mul3A_276 : i32
    %add3A_278 = arith.addi %mul3A_275, %mul3A_277 : i32
    %dma_start3A_279 = arith.constant 0 : i32
    %dma_start3A_280 = tpu.memref_slice %arg5[%add3A_278, %dma_start3A_279] : memref<65536x128xf32, #tpu.memory_space<hbm>> -> memref<128x128xf32, #tpu.memory_space<hbm>>
    %dma_start3A_281 = arith.constant 0 : i32
    %dma_start3A_282 = tpu.memref_slice %arg5[%add3A_278, %dma_start3A_281] : memref<65536x128xf32, #tpu.memory_space<hbm>> -> memref<128x128xf32, #tpu.memory_space<hbm>>
    tpu.enqueue_dma source(%arg11 : memref<128x128xf32, #tpu.memory_space<vmem>>) target(%dma_start3A_282 : memref<128x128xf32, #tpu.memory_space<hbm>>) target_semaphore(%arg25 : memref<!tpu.dma_semaphore, #tpu.memory_space<semaphore_mem>>)
    %dma_wait3A_283 = arith.constant 0 : i32
    %dma_wait3A_284 = tpu.memref_slice %arg5[%add3A_278, %dma_wait3A_283] : memref<65536x128xf32, #tpu.memory_space<hbm>> -> memref<128x128xf32, #tpu.memory_space<hbm>>
    %dma_wait3A_285 = arith.constant 0 : i32
    %dma_wait3A_286 = tpu.memref_slice %arg5[%add3A_278, %dma_wait3A_285] : memref<65536x128xf32, #tpu.memory_space<hbm>> -> memref<128x128xf32, #tpu.memory_space<hbm>>
    tpu.wait_dma2 semaphore(%arg25 : memref<!tpu.dma_semaphore, #tpu.memory_space<semaphore_mem>>) src(%arg11 : memref<128x128xf32, #tpu.memory_space<vmem>>) dst(%dma_wait3A_286 : memref<128x128xf32, #tpu.memory_space<hbm>>)
    %mul3A_287 = arith.constant 128 : i32
    %mul3A_288 = arith.muli %select_n3A, %mul3A_287 : i32
    %dma_start3A_289 = arith.constant 0 : i32
    %dma_start3A_290 = tpu.memref_slice %arg7[%mul3A_288, %dma_start3A_289] : memref<2048x128xf32, #tpu.memory_space<vmem_shared>> -> memref<128x128xf32, #tpu.memory_space<vmem_shared>>
    %dma_start3A_291 = arith.constant 0 : i32
    %dma_start3A_292 = tpu.memref_slice %arg7[%mul3A_288, %dma_start3A_291] : memref<2048x128xf32, #tpu.memory_space<vmem_shared>> -> memref<128x128xf32, #tpu.memory_space<vmem_shared>>
    tpu.enqueue_dma source(%dma_start3A_292 : memref<128x128xf32, #tpu.memory_space<vmem_shared>>) target(%arg11 : memref<128x128xf32, #tpu.memory_space<vmem>>) target_semaphore(%arg31 : memref<!tpu.dma_semaphore, #tpu.memory_space<semaphore_mem>>)
    %dma_wait3A_293 = arith.constant 0 : i32
    %dma_wait3A_294 = tpu.memref_slice %arg7[%mul3A_247, %dma_wait3A_293] : memref<2048x128xf32, #tpu.memory_space<vmem_shared>> -> memref<128x128xf32, #tpu.memory_space<vmem_shared>>
    %dma_wait3A_295 = arith.constant 0 : i32
    %dma_wait3A_296 = tpu.memref_slice %arg7[%mul3A_247, %dma_wait3A_295] : memref<2048x128xf32, #tpu.memory_space<vmem_shared>> -> memref<128x128xf32, #tpu.memory_space<vmem_shared>>
    tpu.wait_dma2 semaphore(%arg30 : memref<!tpu.dma_semaphore, #tpu.memory_space<semaphore_mem>>) src(%dma_wait3A_296 : memref<128x128xf32, #tpu.memory_space<vmem_shared>>) dst(%arg10 : memref<128x128xf32, #tpu.memory_space<vmem>>)
    %dma_start3A_297 = arith.constant 8 : i32
    %dma_start3A_298 = arith.constant 0 : i32
    %dma_start3A_299 = tpu.memref_slice %arg6[%dma_start3A_297, %dma_start3A_298] : memref<16x128xi32, #tpu.memory_space<vmem>> -> memref<1x128xi32, #tpu.memory_space<vmem>>
    %dma_start3A_300 = tpu.memref_squeeze %dma_start3A_299 : memref<1x128xi32, #tpu.memory_space<vmem>> -> memref<128xi32, #tpu.memory_space<vmem>>
    %dma_start3A_301 = arith.constant 0 : i32
    %dma_start3A_302 = arith.constant 0 : i32
    %dma_start3A_303 = tpu.memref_slice %arg3[%dma_start3A_301, %dma_start3A_302] : memref<100000x128xf32, #tpu.memory_space<hbm>> -> memref<100000x128xf32, #tpu.memory_space<hbm>>
    tpu.enqueue_indirect_dma source(%dma_start3A_303 : memref<100000x128xf32, #tpu.memory_space<hbm>>) target(%arg10 : memref<128x128xf32, #tpu.memory_space<vmem>>) offsets(%dma_start3A_300 : memref<128xi32, #tpu.memory_space<vmem>>) semaphore(%arg18 : memref<!tpu.dma_semaphore, #tpu.memory_space<semaphore_mem>>) {add = true}
    %dma_wait3A_304 = arith.constant 4 : i32
    %dma_wait3A_305 = arith.constant 0 : i32
    %dma_wait3A_306 = tpu.memref_slice %arg6[%dma_wait3A_304, %dma_wait3A_305] : memref<16x128xi32, #tpu.memory_space<vmem>> -> memref<1x128xi32, #tpu.memory_space<vmem>>
    %dma_wait3A_307 = tpu.memref_squeeze %dma_wait3A_306 : memref<1x128xi32, #tpu.memory_space<vmem>> -> memref<128xi32, #tpu.memory_space<vmem>>
    %dma_wait3A_308 = arith.constant 0 : i32
    %dma_wait3A_309 = arith.constant 0 : i32
    %dma_wait3A_310 = tpu.memref_slice %arg3[%dma_wait3A_308, %dma_wait3A_309] : memref<100000x128xf32, #tpu.memory_space<hbm>> -> memref<100000x128xf32, #tpu.memory_space<hbm>>
    tpu.wait_indirect_dma semaphore(%arg20 : memref<!tpu.dma_semaphore, #tpu.memory_space<semaphore_mem>>) src(%dma_wait3A_310 : memref<100000x128xf32, #tpu.memory_space<hbm>>) dst(%arg12 : memref<128x128xf32, #tpu.memory_space<vmem>>)
    %mul3A_311 = arith.constant 16 : i32
    %mul3A_312 = arith.muli %select_n3A_30, %mul3A_311 : i32
    %add3A_313 = arith.constant 4 : i32
    %add3A_314 = arith.addi %mul3A_312, %add3A_313 : i32
    %mul3A_315 = arith.constant 2048 : i32
    %mul3A_316 = arith.muli %add3A_314, %mul3A_315 : i32
    %mul3A_317 = arith.constant 128 : i32
    %mul3A_318 = arith.muli %select_n3A, %mul3A_317 : i32
    %add3A_319 = arith.addi %mul3A_316, %mul3A_318 : i32
    %dma_start3A_320 = arith.constant 0 : i32
    %dma_start3A_321 = tpu.memref_slice %arg5[%add3A_319, %dma_start3A_320] : memref<65536x128xf32, #tpu.memory_space<hbm>> -> memref<128x128xf32, #tpu.memory_space<hbm>>
    %dma_start3A_322 = arith.constant 0 : i32
    %dma_start3A_323 = tpu.memref_slice %arg5[%add3A_319, %dma_start3A_322] : memref<65536x128xf32, #tpu.memory_space<hbm>> -> memref<128x128xf32, #tpu.memory_space<hbm>>
    tpu.enqueue_dma source(%arg12 : memref<128x128xf32, #tpu.memory_space<vmem>>) target(%dma_start3A_323 : memref<128x128xf32, #tpu.memory_space<hbm>>) target_semaphore(%arg26 : memref<!tpu.dma_semaphore, #tpu.memory_space<semaphore_mem>>)
    %dma_wait3A_324 = arith.constant 0 : i32
    %dma_wait3A_325 = tpu.memref_slice %arg5[%add3A_319, %dma_wait3A_324] : memref<65536x128xf32, #tpu.memory_space<hbm>> -> memref<128x128xf32, #tpu.memory_space<hbm>>
    %dma_wait3A_326 = arith.constant 0 : i32
    %dma_wait3A_327 = tpu.memref_slice %arg5[%add3A_319, %dma_wait3A_326] : memref<65536x128xf32, #tpu.memory_space<hbm>> -> memref<128x128xf32, #tpu.memory_space<hbm>>
    tpu.wait_dma2 semaphore(%arg26 : memref<!tpu.dma_semaphore, #tpu.memory_space<semaphore_mem>>) src(%arg12 : memref<128x128xf32, #tpu.memory_space<vmem>>) dst(%dma_wait3A_327 : memref<128x128xf32, #tpu.memory_space<hbm>>)
    %mul3A_328 = arith.constant 128 : i32
    %mul3A_329 = arith.muli %select_n3A, %mul3A_328 : i32
    %dma_start3A_330 = arith.constant 0 : i32
    %dma_start3A_331 = tpu.memref_slice %arg7[%mul3A_329, %dma_start3A_330] : memref<2048x128xf32, #tpu.memory_space<vmem_shared>> -> memref<128x128xf32, #tpu.memory_space<vmem_shared>>
    %dma_start3A_332 = arith.constant 0 : i32
    %dma_start3A_333 = tpu.memref_slice %arg7[%mul3A_329, %dma_start3A_332] : memref<2048x128xf32, #tpu.memory_space<vmem_shared>> -> memref<128x128xf32, #tpu.memory_space<vmem_shared>>
    tpu.enqueue_dma source(%dma_start3A_333 : memref<128x128xf32, #tpu.memory_space<vmem_shared>>) target(%arg12 : memref<128x128xf32, #tpu.memory_space<vmem>>) target_semaphore(%arg32 : memref<!tpu.dma_semaphore, #tpu.memory_space<semaphore_mem>>)
    %dma_wait3A_334 = arith.constant 0 : i32
    %dma_wait3A_335 = tpu.memref_slice %arg7[%mul3A_288, %dma_wait3A_334] : memref<2048x128xf32, #tpu.memory_space<vmem_shared>> -> memref<128x128xf32, #tpu.memory_space<vmem_shared>>
    %dma_wait3A_336 = arith.constant 0 : i32
    %dma_wait3A_337 = tpu.memref_slice %arg7[%mul3A_288, %dma_wait3A_336] : memref<2048x128xf32, #tpu.memory_space<vmem_shared>> -> memref<128x128xf32, #tpu.memory_space<vmem_shared>>
    tpu.wait_dma2 semaphore(%arg31 : memref<!tpu.dma_semaphore, #tpu.memory_space<semaphore_mem>>) src(%dma_wait3A_337 : memref<128x128xf32, #tpu.memory_space<vmem_shared>>) dst(%arg11 : memref<128x128xf32, #tpu.memory_space<vmem>>)
    %dma_start3A_338 = arith.constant 9 : i32
    %dma_start3A_339 = arith.constant 0 : i32
    %dma_start3A_340 = tpu.memref_slice %arg6[%dma_start3A_338, %dma_start3A_339] : memref<16x128xi32, #tpu.memory_space<vmem>> -> memref<1x128xi32, #tpu.memory_space<vmem>>
    %dma_start3A_341 = tpu.memref_squeeze %dma_start3A_340 : memref<1x128xi32, #tpu.memory_space<vmem>> -> memref<128xi32, #tpu.memory_space<vmem>>
    %dma_start3A_342 = arith.constant 0 : i32
    %dma_start3A_343 = arith.constant 0 : i32
    %dma_start3A_344 = tpu.memref_slice %arg3[%dma_start3A_342, %dma_start3A_343] : memref<100000x128xf32, #tpu.memory_space<hbm>> -> memref<100000x128xf32, #tpu.memory_space<hbm>>
    tpu.enqueue_indirect_dma source(%dma_start3A_344 : memref<100000x128xf32, #tpu.memory_space<hbm>>) target(%arg11 : memref<128x128xf32, #tpu.memory_space<vmem>>) offsets(%dma_start3A_341 : memref<128xi32, #tpu.memory_space<vmem>>) semaphore(%arg19 : memref<!tpu.dma_semaphore, #tpu.memory_space<semaphore_mem>>) {add = true}
    %dma_wait3A_345 = arith.constant 5 : i32
    %dma_wait3A_346 = arith.constant 0 : i32
    %dma_wait3A_347 = tpu.memref_slice %arg6[%dma_wait3A_345, %dma_wait3A_346] : memref<16x128xi32, #tpu.memory_space<vmem>> -> memref<1x128xi32, #tpu.memory_space<vmem>>
    %dma_wait3A_348 = tpu.memref_squeeze %dma_wait3A_347 : memref<1x128xi32, #tpu.memory_space<vmem>> -> memref<128xi32, #tpu.memory_space<vmem>>
    %dma_wait3A_349 = arith.constant 0 : i32
    %dma_wait3A_350 = arith.constant 0 : i32
    %dma_wait3A_351 = tpu.memref_slice %arg3[%dma_wait3A_349, %dma_wait3A_350] : memref<100000x128xf32, #tpu.memory_space<hbm>> -> memref<100000x128xf32, #tpu.memory_space<hbm>>
    tpu.wait_indirect_dma semaphore(%arg21 : memref<!tpu.dma_semaphore, #tpu.memory_space<semaphore_mem>>) src(%dma_wait3A_351 : memref<100000x128xf32, #tpu.memory_space<hbm>>) dst(%arg13 : memref<128x128xf32, #tpu.memory_space<vmem>>)
    %mul3A_352 = arith.constant 16 : i32
    %mul3A_353 = arith.muli %select_n3A_30, %mul3A_352 : i32
    %add3A_354 = arith.constant 5 : i32
    %add3A_355 = arith.addi %mul3A_353, %add3A_354 : i32
    %mul3A_356 = arith.constant 2048 : i32
    %mul3A_357 = arith.muli %add3A_355, %mul3A_356 : i32
    %mul3A_358 = arith.constant 128 : i32
    %mul3A_359 = arith.muli %select_n3A, %mul3A_358 : i32
    %add3A_360 = arith.addi %mul3A_357, %mul3A_359 : i32
    %dma_start3A_361 = arith.constant 0 : i32
    %dma_start3A_362 = tpu.memref_slice %arg5[%add3A_360, %dma_start3A_361] : memref<65536x128xf32, #tpu.memory_space<hbm>> -> memref<128x128xf32, #tpu.memory_space<hbm>>
    %dma_start3A_363 = arith.constant 0 : i32
    %dma_start3A_364 = tpu.memref_slice %arg5[%add3A_360, %dma_start3A_363] : memref<65536x128xf32, #tpu.memory_space<hbm>> -> memref<128x128xf32, #tpu.memory_space<hbm>>
    tpu.enqueue_dma source(%arg13 : memref<128x128xf32, #tpu.memory_space<vmem>>) target(%dma_start3A_364 : memref<128x128xf32, #tpu.memory_space<hbm>>) target_semaphore(%arg27 : memref<!tpu.dma_semaphore, #tpu.memory_space<semaphore_mem>>)
    %dma_wait3A_365 = arith.constant 0 : i32
    %dma_wait3A_366 = tpu.memref_slice %arg5[%add3A_360, %dma_wait3A_365] : memref<65536x128xf32, #tpu.memory_space<hbm>> -> memref<128x128xf32, #tpu.memory_space<hbm>>
    %dma_wait3A_367 = arith.constant 0 : i32
    %dma_wait3A_368 = tpu.memref_slice %arg5[%add3A_360, %dma_wait3A_367] : memref<65536x128xf32, #tpu.memory_space<hbm>> -> memref<128x128xf32, #tpu.memory_space<hbm>>
    tpu.wait_dma2 semaphore(%arg27 : memref<!tpu.dma_semaphore, #tpu.memory_space<semaphore_mem>>) src(%arg13 : memref<128x128xf32, #tpu.memory_space<vmem>>) dst(%dma_wait3A_368 : memref<128x128xf32, #tpu.memory_space<hbm>>)
    %mul3A_369 = arith.constant 128 : i32
    %mul3A_370 = arith.muli %select_n3A, %mul3A_369 : i32
    %dma_start3A_371 = arith.constant 0 : i32
    %dma_start3A_372 = tpu.memref_slice %arg7[%mul3A_370, %dma_start3A_371] : memref<2048x128xf32, #tpu.memory_space<vmem_shared>> -> memref<128x128xf32, #tpu.memory_space<vmem_shared>>
    %dma_start3A_373 = arith.constant 0 : i32
    %dma_start3A_374 = tpu.memref_slice %arg7[%mul3A_370, %dma_start3A_373] : memref<2048x128xf32, #tpu.memory_space<vmem_shared>> -> memref<128x128xf32, #tpu.memory_space<vmem_shared>>
    tpu.enqueue_dma source(%dma_start3A_374 : memref<128x128xf32, #tpu.memory_space<vmem_shared>>) target(%arg13 : memref<128x128xf32, #tpu.memory_space<vmem>>) target_semaphore(%arg33 : memref<!tpu.dma_semaphore, #tpu.memory_space<semaphore_mem>>)
    %dma_wait3A_375 = arith.constant 0 : i32
    %dma_wait3A_376 = tpu.memref_slice %arg7[%mul3A_329, %dma_wait3A_375] : memref<2048x128xf32, #tpu.memory_space<vmem_shared>> -> memref<128x128xf32, #tpu.memory_space<vmem_shared>>
    %dma_wait3A_377 = arith.constant 0 : i32
    %dma_wait3A_378 = tpu.memref_slice %arg7[%mul3A_329, %dma_wait3A_377] : memref<2048x128xf32, #tpu.memory_space<vmem_shared>> -> memref<128x128xf32, #tpu.memory_space<vmem_shared>>
    tpu.wait_dma2 semaphore(%arg32 : memref<!tpu.dma_semaphore, #tpu.memory_space<semaphore_mem>>) src(%dma_wait3A_378 : memref<128x128xf32, #tpu.memory_space<vmem_shared>>) dst(%arg12 : memref<128x128xf32, #tpu.memory_space<vmem>>)
    %dma_start3A_379 = arith.constant 10 : i32
    %dma_start3A_380 = arith.constant 0 : i32
    %dma_start3A_381 = tpu.memref_slice %arg6[%dma_start3A_379, %dma_start3A_380] : memref<16x128xi32, #tpu.memory_space<vmem>> -> memref<1x128xi32, #tpu.memory_space<vmem>>
    %dma_start3A_382 = tpu.memref_squeeze %dma_start3A_381 : memref<1x128xi32, #tpu.memory_space<vmem>> -> memref<128xi32, #tpu.memory_space<vmem>>
    %dma_start3A_383 = arith.constant 0 : i32
    %dma_start3A_384 = arith.constant 0 : i32
    %dma_start3A_385 = tpu.memref_slice %arg3[%dma_start3A_383, %dma_start3A_384] : memref<100000x128xf32, #tpu.memory_space<hbm>> -> memref<100000x128xf32, #tpu.memory_space<hbm>>
    tpu.enqueue_indirect_dma source(%dma_start3A_385 : memref<100000x128xf32, #tpu.memory_space<hbm>>) target(%arg12 : memref<128x128xf32, #tpu.memory_space<vmem>>) offsets(%dma_start3A_382 : memref<128xi32, #tpu.memory_space<vmem>>) semaphore(%arg20 : memref<!tpu.dma_semaphore, #tpu.memory_space<semaphore_mem>>) {add = true}
    %dma_wait3A_386 = arith.constant 6 : i32
    %dma_wait3A_387 = arith.constant 0 : i32
    %dma_wait3A_388 = tpu.memref_slice %arg6[%dma_wait3A_386, %dma_wait3A_387] : memref<16x128xi32, #tpu.memory_space<vmem>> -> memref<1x128xi32, #tpu.memory_space<vmem>>
    %dma_wait3A_389 = tpu.memref_squeeze %dma_wait3A_388 : memref<1x128xi32, #tpu.memory_space<vmem>> -> memref<128xi32, #tpu.memory_space<vmem>>
    %dma_wait3A_390 = arith.constant 0 : i32
    %dma_wait3A_391 = arith.constant 0 : i32
    %dma_wait3A_392 = tpu.memref_slice %arg3[%dma_wait3A_390, %dma_wait3A_391] : memref<100000x128xf32, #tpu.memory_space<hbm>> -> memref<100000x128xf32, #tpu.memory_space<hbm>>
    tpu.wait_indirect_dma semaphore(%arg16 : memref<!tpu.dma_semaphore, #tpu.memory_space<semaphore_mem>>) src(%dma_wait3A_392 : memref<100000x128xf32, #tpu.memory_space<hbm>>) dst(%arg8 : memref<128x128xf32, #tpu.memory_space<vmem>>)
    %mul3A_393 = arith.constant 16 : i32
    %mul3A_394 = arith.muli %select_n3A_30, %mul3A_393 : i32
    %add3A_395 = arith.constant 6 : i32
    %add3A_396 = arith.addi %mul3A_394, %add3A_395 : i32
    %mul3A_397 = arith.constant 2048 : i32
    %mul3A_398 = arith.muli %add3A_396, %mul3A_397 : i32
    %mul3A_399 = arith.constant 128 : i32
    %mul3A_400 = arith.muli %select_n3A, %mul3A_399 : i32
    %add3A_401 = arith.addi %mul3A_398, %mul3A_400 : i32
    %dma_start3A_402 = arith.constant 0 : i32
    %dma_start3A_403 = tpu.memref_slice %arg5[%add3A_401, %dma_start3A_402] : memref<65536x128xf32, #tpu.memory_space<hbm>> -> memref<128x128xf32, #tpu.memory_space<hbm>>
    %dma_start3A_404 = arith.constant 0 : i32
    %dma_start3A_405 = tpu.memref_slice %arg5[%add3A_401, %dma_start3A_404] : memref<65536x128xf32, #tpu.memory_space<hbm>> -> memref<128x128xf32, #tpu.memory_space<hbm>>
    tpu.enqueue_dma source(%arg8 : memref<128x128xf32, #tpu.memory_space<vmem>>) target(%dma_start3A_405 : memref<128x128xf32, #tpu.memory_space<hbm>>) target_semaphore(%arg22 : memref<!tpu.dma_semaphore, #tpu.memory_space<semaphore_mem>>)
    %dma_wait3A_406 = arith.constant 0 : i32
    %dma_wait3A_407 = tpu.memref_slice %arg5[%add3A_401, %dma_wait3A_406] : memref<65536x128xf32, #tpu.memory_space<hbm>> -> memref<128x128xf32, #tpu.memory_space<hbm>>
    %dma_wait3A_408 = arith.constant 0 : i32
    %dma_wait3A_409 = tpu.memref_slice %arg5[%add3A_401, %dma_wait3A_408] : memref<65536x128xf32, #tpu.memory_space<hbm>> -> memref<128x128xf32, #tpu.memory_space<hbm>>
    tpu.wait_dma2 semaphore(%arg22 : memref<!tpu.dma_semaphore, #tpu.memory_space<semaphore_mem>>) src(%arg8 : memref<128x128xf32, #tpu.memory_space<vmem>>) dst(%dma_wait3A_409 : memref<128x128xf32, #tpu.memory_space<hbm>>)
    %mul3A_410 = arith.constant 128 : i32
    %mul3A_411 = arith.muli %select_n3A, %mul3A_410 : i32
    %dma_start3A_412 = arith.constant 0 : i32
    %dma_start3A_413 = tpu.memref_slice %arg7[%mul3A_411, %dma_start3A_412] : memref<2048x128xf32, #tpu.memory_space<vmem_shared>> -> memref<128x128xf32, #tpu.memory_space<vmem_shared>>
    %dma_start3A_414 = arith.constant 0 : i32
    %dma_start3A_415 = tpu.memref_slice %arg7[%mul3A_411, %dma_start3A_414] : memref<2048x128xf32, #tpu.memory_space<vmem_shared>> -> memref<128x128xf32, #tpu.memory_space<vmem_shared>>
    tpu.enqueue_dma source(%dma_start3A_415 : memref<128x128xf32, #tpu.memory_space<vmem_shared>>) target(%arg8 : memref<128x128xf32, #tpu.memory_space<vmem>>) target_semaphore(%arg28 : memref<!tpu.dma_semaphore, #tpu.memory_space<semaphore_mem>>)
    %dma_wait3A_416 = arith.constant 0 : i32
    %dma_wait3A_417 = tpu.memref_slice %arg7[%mul3A_370, %dma_wait3A_416] : memref<2048x128xf32, #tpu.memory_space<vmem_shared>> -> memref<128x128xf32, #tpu.memory_space<vmem_shared>>
    %dma_wait3A_418 = arith.constant 0 : i32
    %dma_wait3A_419 = tpu.memref_slice %arg7[%mul3A_370, %dma_wait3A_418] : memref<2048x128xf32, #tpu.memory_space<vmem_shared>> -> memref<128x128xf32, #tpu.memory_space<vmem_shared>>
    tpu.wait_dma2 semaphore(%arg33 : memref<!tpu.dma_semaphore, #tpu.memory_space<semaphore_mem>>) src(%dma_wait3A_419 : memref<128x128xf32, #tpu.memory_space<vmem_shared>>) dst(%arg13 : memref<128x128xf32, #tpu.memory_space<vmem>>)
    %dma_start3A_420 = arith.constant 11 : i32
    %dma_start3A_421 = arith.constant 0 : i32
    %dma_start3A_422 = tpu.memref_slice %arg6[%dma_start3A_420, %dma_start3A_421] : memref<16x128xi32, #tpu.memory_space<vmem>> -> memref<1x128xi32, #tpu.memory_space<vmem>>
    %dma_start3A_423 = tpu.memref_squeeze %dma_start3A_422 : memref<1x128xi32, #tpu.memory_space<vmem>> -> memref<128xi32, #tpu.memory_space<vmem>>
    %dma_start3A_424 = arith.constant 0 : i32
    %dma_start3A_425 = arith.constant 0 : i32
    %dma_start3A_426 = tpu.memref_slice %arg3[%dma_start3A_424, %dma_start3A_425] : memref<100000x128xf32, #tpu.memory_space<hbm>> -> memref<100000x128xf32, #tpu.memory_space<hbm>>
    tpu.enqueue_indirect_dma source(%dma_start3A_426 : memref<100000x128xf32, #tpu.memory_space<hbm>>) target(%arg13 : memref<128x128xf32, #tpu.memory_space<vmem>>) offsets(%dma_start3A_423 : memref<128xi32, #tpu.memory_space<vmem>>) semaphore(%arg21 : memref<!tpu.dma_semaphore, #tpu.memory_space<semaphore_mem>>) {add = true}
    %dma_wait3A_427 = arith.constant 7 : i32
    %dma_wait3A_428 = arith.constant 0 : i32
    %dma_wait3A_429 = tpu.memref_slice %arg6[%dma_wait3A_427, %dma_wait3A_428] : memref<16x128xi32, #tpu.memory_space<vmem>> -> memref<1x128xi32, #tpu.memory_space<vmem>>
    %dma_wait3A_430 = tpu.memref_squeeze %dma_wait3A_429 : memref<1x128xi32, #tpu.memory_space<vmem>> -> memref<128xi32, #tpu.memory_space<vmem>>
    %dma_wait3A_431 = arith.constant 0 : i32
    %dma_wait3A_432 = arith.constant 0 : i32
    %dma_wait3A_433 = tpu.memref_slice %arg3[%dma_wait3A_431, %dma_wait3A_432] : memref<100000x128xf32, #tpu.memory_space<hbm>> -> memref<100000x128xf32, #tpu.memory_space<hbm>>
    tpu.wait_indirect_dma semaphore(%arg17 : memref<!tpu.dma_semaphore, #tpu.memory_space<semaphore_mem>>) src(%dma_wait3A_433 : memref<100000x128xf32, #tpu.memory_space<hbm>>) dst(%arg9 : memref<128x128xf32, #tpu.memory_space<vmem>>)
    %mul3A_434 = arith.constant 16 : i32
    %mul3A_435 = arith.muli %select_n3A_30, %mul3A_434 : i32
    %add3A_436 = arith.constant 7 : i32
    %add3A_437 = arith.addi %mul3A_435, %add3A_436 : i32
    %mul3A_438 = arith.constant 2048 : i32
    %mul3A_439 = arith.muli %add3A_437, %mul3A_438 : i32
    %mul3A_440 = arith.constant 128 : i32
    %mul3A_441 = arith.muli %select_n3A, %mul3A_440 : i32
    %add3A_442 = arith.addi %mul3A_439, %mul3A_441 : i32
    %dma_start3A_443 = arith.constant 0 : i32
    %dma_start3A_444 = tpu.memref_slice %arg5[%add3A_442, %dma_start3A_443] : memref<65536x128xf32, #tpu.memory_space<hbm>> -> memref<128x128xf32, #tpu.memory_space<hbm>>
    %dma_start3A_445 = arith.constant 0 : i32
    %dma_start3A_446 = tpu.memref_slice %arg5[%add3A_442, %dma_start3A_445] : memref<65536x128xf32, #tpu.memory_space<hbm>> -> memref<128x128xf32, #tpu.memory_space<hbm>>
    tpu.enqueue_dma source(%arg9 : memref<128x128xf32, #tpu.memory_space<vmem>>) target(%dma_start3A_446 : memref<128x128xf32, #tpu.memory_space<hbm>>) target_semaphore(%arg23 : memref<!tpu.dma_semaphore, #tpu.memory_space<semaphore_mem>>)
    %dma_wait3A_447 = arith.constant 0 : i32
    %dma_wait3A_448 = tpu.memref_slice %arg5[%add3A_442, %dma_wait3A_447] : memref<65536x128xf32, #tpu.memory_space<hbm>> -> memref<128x128xf32, #tpu.memory_space<hbm>>
    %dma_wait3A_449 = arith.constant 0 : i32
    %dma_wait3A_450 = tpu.memref_slice %arg5[%add3A_442, %dma_wait3A_449] : memref<65536x128xf32, #tpu.memory_space<hbm>> -> memref<128x128xf32, #tpu.memory_space<hbm>>
    tpu.wait_dma2 semaphore(%arg23 : memref<!tpu.dma_semaphore, #tpu.memory_space<semaphore_mem>>) src(%arg9 : memref<128x128xf32, #tpu.memory_space<vmem>>) dst(%dma_wait3A_450 : memref<128x128xf32, #tpu.memory_space<hbm>>)
    %mul3A_451 = arith.constant 128 : i32
    %mul3A_452 = arith.muli %select_n3A, %mul3A_451 : i32
    %dma_start3A_453 = arith.constant 0 : i32
    %dma_start3A_454 = tpu.memref_slice %arg7[%mul3A_452, %dma_start3A_453] : memref<2048x128xf32, #tpu.memory_space<vmem_shared>> -> memref<128x128xf32, #tpu.memory_space<vmem_shared>>
    %dma_start3A_455 = arith.constant 0 : i32
    %dma_start3A_456 = tpu.memref_slice %arg7[%mul3A_452, %dma_start3A_455] : memref<2048x128xf32, #tpu.memory_space<vmem_shared>> -> memref<128x128xf32, #tpu.memory_space<vmem_shared>>
    tpu.enqueue_dma source(%dma_start3A_456 : memref<128x128xf32, #tpu.memory_space<vmem_shared>>) target(%arg9 : memref<128x128xf32, #tpu.memory_space<vmem>>) target_semaphore(%arg29 : memref<!tpu.dma_semaphore, #tpu.memory_space<semaphore_mem>>)
    %dma_wait3A_457 = arith.constant 0 : i32
    %dma_wait3A_458 = tpu.memref_slice %arg7[%mul3A_411, %dma_wait3A_457] : memref<2048x128xf32, #tpu.memory_space<vmem_shared>> -> memref<128x128xf32, #tpu.memory_space<vmem_shared>>
    %dma_wait3A_459 = arith.constant 0 : i32
    %dma_wait3A_460 = tpu.memref_slice %arg7[%mul3A_411, %dma_wait3A_459] : memref<2048x128xf32, #tpu.memory_space<vmem_shared>> -> memref<128x128xf32, #tpu.memory_space<vmem_shared>>
    tpu.wait_dma2 semaphore(%arg28 : memref<!tpu.dma_semaphore, #tpu.memory_space<semaphore_mem>>) src(%dma_wait3A_460 : memref<128x128xf32, #tpu.memory_space<vmem_shared>>) dst(%arg8 : memref<128x128xf32, #tpu.memory_space<vmem>>)
    %dma_start3A_461 = arith.constant 12 : i32
    %dma_start3A_462 = arith.constant 0 : i32
    %dma_start3A_463 = tpu.memref_slice %arg6[%dma_start3A_461, %dma_start3A_462] : memref<16x128xi32, #tpu.memory_space<vmem>> -> memref<1x128xi32, #tpu.memory_space<vmem>>
    %dma_start3A_464 = tpu.memref_squeeze %dma_start3A_463 : memref<1x128xi32, #tpu.memory_space<vmem>> -> memref<128xi32, #tpu.memory_space<vmem>>
    %dma_start3A_465 = arith.constant 0 : i32
    %dma_start3A_466 = arith.constant 0 : i32
    %dma_start3A_467 = tpu.memref_slice %arg3[%dma_start3A_465, %dma_start3A_466] : memref<100000x128xf32, #tpu.memory_space<hbm>> -> memref<100000x128xf32, #tpu.memory_space<hbm>>
    tpu.enqueue_indirect_dma source(%dma_start3A_467 : memref<100000x128xf32, #tpu.memory_space<hbm>>) target(%arg8 : memref<128x128xf32, #tpu.memory_space<vmem>>) offsets(%dma_start3A_464 : memref<128xi32, #tpu.memory_space<vmem>>) semaphore(%arg16 : memref<!tpu.dma_semaphore, #tpu.memory_space<semaphore_mem>>) {add = true}
    %dma_wait3A_468 = arith.constant 8 : i32
    %dma_wait3A_469 = arith.constant 0 : i32
    %dma_wait3A_470 = tpu.memref_slice %arg6[%dma_wait3A_468, %dma_wait3A_469] : memref<16x128xi32, #tpu.memory_space<vmem>> -> memref<1x128xi32, #tpu.memory_space<vmem>>
    %dma_wait3A_471 = tpu.memref_squeeze %dma_wait3A_470 : memref<1x128xi32, #tpu.memory_space<vmem>> -> memref<128xi32, #tpu.memory_space<vmem>>
    %dma_wait3A_472 = arith.constant 0 : i32
    %dma_wait3A_473 = arith.constant 0 : i32
    %dma_wait3A_474 = tpu.memref_slice %arg3[%dma_wait3A_472, %dma_wait3A_473] : memref<100000x128xf32, #tpu.memory_space<hbm>> -> memref<100000x128xf32, #tpu.memory_space<hbm>>
    tpu.wait_indirect_dma semaphore(%arg18 : memref<!tpu.dma_semaphore, #tpu.memory_space<semaphore_mem>>) src(%dma_wait3A_474 : memref<100000x128xf32, #tpu.memory_space<hbm>>) dst(%arg10 : memref<128x128xf32, #tpu.memory_space<vmem>>)
    %mul3A_475 = arith.constant 16 : i32
    %mul3A_476 = arith.muli %select_n3A_30, %mul3A_475 : i32
    %add3A_477 = arith.constant 8 : i32
    %add3A_478 = arith.addi %mul3A_476, %add3A_477 : i32
    %mul3A_479 = arith.constant 2048 : i32
    %mul3A_480 = arith.muli %add3A_478, %mul3A_479 : i32
    %mul3A_481 = arith.constant 128 : i32
    %mul3A_482 = arith.muli %select_n3A, %mul3A_481 : i32
    %add3A_483 = arith.addi %mul3A_480, %mul3A_482 : i32
    %dma_start3A_484 = arith.constant 0 : i32
    %dma_start3A_485 = tpu.memref_slice %arg5[%add3A_483, %dma_start3A_484] : memref<65536x128xf32, #tpu.memory_space<hbm>> -> memref<128x128xf32, #tpu.memory_space<hbm>>
    %dma_start3A_486 = arith.constant 0 : i32
    %dma_start3A_487 = tpu.memref_slice %arg5[%add3A_483, %dma_start3A_486] : memref<65536x128xf32, #tpu.memory_space<hbm>> -> memref<128x128xf32, #tpu.memory_space<hbm>>
    tpu.enqueue_dma source(%arg10 : memref<128x128xf32, #tpu.memory_space<vmem>>) target(%dma_start3A_487 : memref<128x128xf32, #tpu.memory_space<hbm>>) target_semaphore(%arg24 : memref<!tpu.dma_semaphore, #tpu.memory_space<semaphore_mem>>)
    %dma_wait3A_488 = arith.constant 0 : i32
    %dma_wait3A_489 = tpu.memref_slice %arg5[%add3A_483, %dma_wait3A_488] : memref<65536x128xf32, #tpu.memory_space<hbm>> -> memref<128x128xf32, #tpu.memory_space<hbm>>
    %dma_wait3A_490 = arith.constant 0 : i32
    %dma_wait3A_491 = tpu.memref_slice %arg5[%add3A_483, %dma_wait3A_490] : memref<65536x128xf32, #tpu.memory_space<hbm>> -> memref<128x128xf32, #tpu.memory_space<hbm>>
    tpu.wait_dma2 semaphore(%arg24 : memref<!tpu.dma_semaphore, #tpu.memory_space<semaphore_mem>>) src(%arg10 : memref<128x128xf32, #tpu.memory_space<vmem>>) dst(%dma_wait3A_491 : memref<128x128xf32, #tpu.memory_space<hbm>>)
    %mul3A_492 = arith.constant 128 : i32
    %mul3A_493 = arith.muli %select_n3A, %mul3A_492 : i32
    %dma_start3A_494 = arith.constant 0 : i32
    %dma_start3A_495 = tpu.memref_slice %arg7[%mul3A_493, %dma_start3A_494] : memref<2048x128xf32, #tpu.memory_space<vmem_shared>> -> memref<128x128xf32, #tpu.memory_space<vmem_shared>>
    %dma_start3A_496 = arith.constant 0 : i32
    %dma_start3A_497 = tpu.memref_slice %arg7[%mul3A_493, %dma_start3A_496] : memref<2048x128xf32, #tpu.memory_space<vmem_shared>> -> memref<128x128xf32, #tpu.memory_space<vmem_shared>>
    tpu.enqueue_dma source(%dma_start3A_497 : memref<128x128xf32, #tpu.memory_space<vmem_shared>>) target(%arg10 : memref<128x128xf32, #tpu.memory_space<vmem>>) target_semaphore(%arg30 : memref<!tpu.dma_semaphore, #tpu.memory_space<semaphore_mem>>)
    %dma_wait3A_498 = arith.constant 0 : i32
    %dma_wait3A_499 = tpu.memref_slice %arg7[%mul3A_452, %dma_wait3A_498] : memref<2048x128xf32, #tpu.memory_space<vmem_shared>> -> memref<128x128xf32, #tpu.memory_space<vmem_shared>>
    %dma_wait3A_500 = arith.constant 0 : i32
    %dma_wait3A_501 = tpu.memref_slice %arg7[%mul3A_452, %dma_wait3A_500] : memref<2048x128xf32, #tpu.memory_space<vmem_shared>> -> memref<128x128xf32, #tpu.memory_space<vmem_shared>>
    tpu.wait_dma2 semaphore(%arg29 : memref<!tpu.dma_semaphore, #tpu.memory_space<semaphore_mem>>) src(%dma_wait3A_501 : memref<128x128xf32, #tpu.memory_space<vmem_shared>>) dst(%arg9 : memref<128x128xf32, #tpu.memory_space<vmem>>)
    %dma_start3A_502 = arith.constant 13 : i32
    %dma_start3A_503 = arith.constant 0 : i32
    %dma_start3A_504 = tpu.memref_slice %arg6[%dma_start3A_502, %dma_start3A_503] : memref<16x128xi32, #tpu.memory_space<vmem>> -> memref<1x128xi32, #tpu.memory_space<vmem>>
    %dma_start3A_505 = tpu.memref_squeeze %dma_start3A_504 : memref<1x128xi32, #tpu.memory_space<vmem>> -> memref<128xi32, #tpu.memory_space<vmem>>
    %dma_start3A_506 = arith.constant 0 : i32
    %dma_start3A_507 = arith.constant 0 : i32
    %dma_start3A_508 = tpu.memref_slice %arg3[%dma_start3A_506, %dma_start3A_507] : memref<100000x128xf32, #tpu.memory_space<hbm>> -> memref<100000x128xf32, #tpu.memory_space<hbm>>
    tpu.enqueue_indirect_dma source(%dma_start3A_508 : memref<100000x128xf32, #tpu.memory_space<hbm>>) target(%arg9 : memref<128x128xf32, #tpu.memory_space<vmem>>) offsets(%dma_start3A_505 : memref<128xi32, #tpu.memory_space<vmem>>) semaphore(%arg17 : memref<!tpu.dma_semaphore, #tpu.memory_space<semaphore_mem>>) {add = true}
    %dma_wait3A_509 = arith.constant 9 : i32
    %dma_wait3A_510 = arith.constant 0 : i32
    %dma_wait3A_511 = tpu.memref_slice %arg6[%dma_wait3A_509, %dma_wait3A_510] : memref<16x128xi32, #tpu.memory_space<vmem>> -> memref<1x128xi32, #tpu.memory_space<vmem>>
    %dma_wait3A_512 = tpu.memref_squeeze %dma_wait3A_511 : memref<1x128xi32, #tpu.memory_space<vmem>> -> memref<128xi32, #tpu.memory_space<vmem>>
    %dma_wait3A_513 = arith.constant 0 : i32
    %dma_wait3A_514 = arith.constant 0 : i32
    %dma_wait3A_515 = tpu.memref_slice %arg3[%dma_wait3A_513, %dma_wait3A_514] : memref<100000x128xf32, #tpu.memory_space<hbm>> -> memref<100000x128xf32, #tpu.memory_space<hbm>>
    tpu.wait_indirect_dma semaphore(%arg19 : memref<!tpu.dma_semaphore, #tpu.memory_space<semaphore_mem>>) src(%dma_wait3A_515 : memref<100000x128xf32, #tpu.memory_space<hbm>>) dst(%arg11 : memref<128x128xf32, #tpu.memory_space<vmem>>)
    %mul3A_516 = arith.constant 16 : i32
    %mul3A_517 = arith.muli %select_n3A_30, %mul3A_516 : i32
    %add3A_518 = arith.constant 9 : i32
    %add3A_519 = arith.addi %mul3A_517, %add3A_518 : i32
    %mul3A_520 = arith.constant 2048 : i32
    %mul3A_521 = arith.muli %add3A_519, %mul3A_520 : i32
    %mul3A_522 = arith.constant 128 : i32
    %mul3A_523 = arith.muli %select_n3A, %mul3A_522 : i32
    %add3A_524 = arith.addi %mul3A_521, %mul3A_523 : i32
    %dma_start3A_525 = arith.constant 0 : i32
    %dma_start3A_526 = tpu.memref_slice %arg5[%add3A_524, %dma_start3A_525] : memref<65536x128xf32, #tpu.memory_space<hbm>> -> memref<128x128xf32, #tpu.memory_space<hbm>>
    %dma_start3A_527 = arith.constant 0 : i32
    %dma_start3A_528 = tpu.memref_slice %arg5[%add3A_524, %dma_start3A_527] : memref<65536x128xf32, #tpu.memory_space<hbm>> -> memref<128x128xf32, #tpu.memory_space<hbm>>
    tpu.enqueue_dma source(%arg11 : memref<128x128xf32, #tpu.memory_space<vmem>>) target(%dma_start3A_528 : memref<128x128xf32, #tpu.memory_space<hbm>>) target_semaphore(%arg25 : memref<!tpu.dma_semaphore, #tpu.memory_space<semaphore_mem>>)
    %dma_wait3A_529 = arith.constant 0 : i32
    %dma_wait3A_530 = tpu.memref_slice %arg5[%add3A_524, %dma_wait3A_529] : memref<65536x128xf32, #tpu.memory_space<hbm>> -> memref<128x128xf32, #tpu.memory_space<hbm>>
    %dma_wait3A_531 = arith.constant 0 : i32
    %dma_wait3A_532 = tpu.memref_slice %arg5[%add3A_524, %dma_wait3A_531] : memref<65536x128xf32, #tpu.memory_space<hbm>> -> memref<128x128xf32, #tpu.memory_space<hbm>>
    tpu.wait_dma2 semaphore(%arg25 : memref<!tpu.dma_semaphore, #tpu.memory_space<semaphore_mem>>) src(%arg11 : memref<128x128xf32, #tpu.memory_space<vmem>>) dst(%dma_wait3A_532 : memref<128x128xf32, #tpu.memory_space<hbm>>)
    %mul3A_533 = arith.constant 128 : i32
    %mul3A_534 = arith.muli %select_n3A, %mul3A_533 : i32
    %dma_start3A_535 = arith.constant 0 : i32
    %dma_start3A_536 = tpu.memref_slice %arg7[%mul3A_534, %dma_start3A_535] : memref<2048x128xf32, #tpu.memory_space<vmem_shared>> -> memref<128x128xf32, #tpu.memory_space<vmem_shared>>
    %dma_start3A_537 = arith.constant 0 : i32
    %dma_start3A_538 = tpu.memref_slice %arg7[%mul3A_534, %dma_start3A_537] : memref<2048x128xf32, #tpu.memory_space<vmem_shared>> -> memref<128x128xf32, #tpu.memory_space<vmem_shared>>
    tpu.enqueue_dma source(%dma_start3A_538 : memref<128x128xf32, #tpu.memory_space<vmem_shared>>) target(%arg11 : memref<128x128xf32, #tpu.memory_space<vmem>>) target_semaphore(%arg31 : memref<!tpu.dma_semaphore, #tpu.memory_space<semaphore_mem>>)
    %dma_wait3A_539 = arith.constant 0 : i32
    %dma_wait3A_540 = tpu.memref_slice %arg7[%mul3A_493, %dma_wait3A_539] : memref<2048x128xf32, #tpu.memory_space<vmem_shared>> -> memref<128x128xf32, #tpu.memory_space<vmem_shared>>
    %dma_wait3A_541 = arith.constant 0 : i32
    %dma_wait3A_542 = tpu.memref_slice %arg7[%mul3A_493, %dma_wait3A_541] : memref<2048x128xf32, #tpu.memory_space<vmem_shared>> -> memref<128x128xf32, #tpu.memory_space<vmem_shared>>
    tpu.wait_dma2 semaphore(%arg30 : memref<!tpu.dma_semaphore, #tpu.memory_space<semaphore_mem>>) src(%dma_wait3A_542 : memref<128x128xf32, #tpu.memory_space<vmem_shared>>) dst(%arg10 : memref<128x128xf32, #tpu.memory_space<vmem>>)
    %dma_start3A_543 = arith.constant 14 : i32
    %dma_start3A_544 = arith.constant 0 : i32
    %dma_start3A_545 = tpu.memref_slice %arg6[%dma_start3A_543, %dma_start3A_544] : memref<16x128xi32, #tpu.memory_space<vmem>> -> memref<1x128xi32, #tpu.memory_space<vmem>>
    %dma_start3A_546 = tpu.memref_squeeze %dma_start3A_545 : memref<1x128xi32, #tpu.memory_space<vmem>> -> memref<128xi32, #tpu.memory_space<vmem>>
    %dma_start3A_547 = arith.constant 0 : i32
    %dma_start3A_548 = arith.constant 0 : i32
    %dma_start3A_549 = tpu.memref_slice %arg3[%dma_start3A_547, %dma_start3A_548] : memref<100000x128xf32, #tpu.memory_space<hbm>> -> memref<100000x128xf32, #tpu.memory_space<hbm>>
    tpu.enqueue_indirect_dma source(%dma_start3A_549 : memref<100000x128xf32, #tpu.memory_space<hbm>>) target(%arg10 : memref<128x128xf32, #tpu.memory_space<vmem>>) offsets(%dma_start3A_546 : memref<128xi32, #tpu.memory_space<vmem>>) semaphore(%arg18 : memref<!tpu.dma_semaphore, #tpu.memory_space<semaphore_mem>>) {add = true}
    %dma_wait3A_550 = arith.constant 10 : i32
    %dma_wait3A_551 = arith.constant 0 : i32
    %dma_wait3A_552 = tpu.memref_slice %arg6[%dma_wait3A_550, %dma_wait3A_551] : memref<16x128xi32, #tpu.memory_space<vmem>> -> memref<1x128xi32, #tpu.memory_space<vmem>>
    %dma_wait3A_553 = tpu.memref_squeeze %dma_wait3A_552 : memref<1x128xi32, #tpu.memory_space<vmem>> -> memref<128xi32, #tpu.memory_space<vmem>>
    %dma_wait3A_554 = arith.constant 0 : i32
    %dma_wait3A_555 = arith.constant 0 : i32
    %dma_wait3A_556 = tpu.memref_slice %arg3[%dma_wait3A_554, %dma_wait3A_555] : memref<100000x128xf32, #tpu.memory_space<hbm>> -> memref<100000x128xf32, #tpu.memory_space<hbm>>
    tpu.wait_indirect_dma semaphore(%arg20 : memref<!tpu.dma_semaphore, #tpu.memory_space<semaphore_mem>>) src(%dma_wait3A_556 : memref<100000x128xf32, #tpu.memory_space<hbm>>) dst(%arg12 : memref<128x128xf32, #tpu.memory_space<vmem>>)
    %mul3A_557 = arith.constant 16 : i32
    %mul3A_558 = arith.muli %select_n3A_30, %mul3A_557 : i32
    %add3A_559 = arith.constant 10 : i32
    %add3A_560 = arith.addi %mul3A_558, %add3A_559 : i32
    %mul3A_561 = arith.constant 2048 : i32
    %mul3A_562 = arith.muli %add3A_560, %mul3A_561 : i32
    %mul3A_563 = arith.constant 128 : i32
    %mul3A_564 = arith.muli %select_n3A, %mul3A_563 : i32
    %add3A_565 = arith.addi %mul3A_562, %mul3A_564 : i32
    %dma_start3A_566 = arith.constant 0 : i32
    %dma_start3A_567 = tpu.memref_slice %arg5[%add3A_565, %dma_start3A_566] : memref<65536x128xf32, #tpu.memory_space<hbm>> -> memref<128x128xf32, #tpu.memory_space<hbm>>
    %dma_start3A_568 = arith.constant 0 : i32
    %dma_start3A_569 = tpu.memref_slice %arg5[%add3A_565, %dma_start3A_568] : memref<65536x128xf32, #tpu.memory_space<hbm>> -> memref<128x128xf32, #tpu.memory_space<hbm>>
    tpu.enqueue_dma source(%arg12 : memref<128x128xf32, #tpu.memory_space<vmem>>) target(%dma_start3A_569 : memref<128x128xf32, #tpu.memory_space<hbm>>) target_semaphore(%arg26 : memref<!tpu.dma_semaphore, #tpu.memory_space<semaphore_mem>>)
    %dma_wait3A_570 = arith.constant 0 : i32
    %dma_wait3A_571 = tpu.memref_slice %arg7[%mul3A_534, %dma_wait3A_570] : memref<2048x128xf32, #tpu.memory_space<vmem_shared>> -> memref<128x128xf32, #tpu.memory_space<vmem_shared>>
    %dma_wait3A_572 = arith.constant 0 : i32
    %dma_wait3A_573 = tpu.memref_slice %arg7[%mul3A_534, %dma_wait3A_572] : memref<2048x128xf32, #tpu.memory_space<vmem_shared>> -> memref<128x128xf32, #tpu.memory_space<vmem_shared>>
    tpu.wait_dma2 semaphore(%arg31 : memref<!tpu.dma_semaphore, #tpu.memory_space<semaphore_mem>>) src(%dma_wait3A_573 : memref<128x128xf32, #tpu.memory_space<vmem_shared>>) dst(%arg11 : memref<128x128xf32, #tpu.memory_space<vmem>>)
    %dma_start3A_574 = arith.constant 15 : i32
    %dma_start3A_575 = arith.constant 0 : i32
    %dma_start3A_576 = tpu.memref_slice %arg6[%dma_start3A_574, %dma_start3A_575] : memref<16x128xi32, #tpu.memory_space<vmem>> -> memref<1x128xi32, #tpu.memory_space<vmem>>
    %dma_start3A_577 = tpu.memref_squeeze %dma_start3A_576 : memref<1x128xi32, #tpu.memory_space<vmem>> -> memref<128xi32, #tpu.memory_space<vmem>>
    %dma_start3A_578 = arith.constant 0 : i32
    %dma_start3A_579 = arith.constant 0 : i32
    %dma_start3A_580 = tpu.memref_slice %arg3[%dma_start3A_578, %dma_start3A_579] : memref<100000x128xf32, #tpu.memory_space<hbm>> -> memref<100000x128xf32, #tpu.memory_space<hbm>>
    tpu.enqueue_indirect_dma source(%dma_start3A_580 : memref<100000x128xf32, #tpu.memory_space<hbm>>) target(%arg11 : memref<128x128xf32, #tpu.memory_space<vmem>>) offsets(%dma_start3A_577 : memref<128xi32, #tpu.memory_space<vmem>>) semaphore(%arg19 : memref<!tpu.dma_semaphore, #tpu.memory_space<semaphore_mem>>) {add = true}
    %dma_wait3A_581 = arith.constant 11 : i32
    %dma_wait3A_582 = arith.constant 0 : i32
    %dma_wait3A_583 = tpu.memref_slice %arg6[%dma_wait3A_581, %dma_wait3A_582] : memref<16x128xi32, #tpu.memory_space<vmem>> -> memref<1x128xi32, #tpu.memory_space<vmem>>
    %dma_wait3A_584 = tpu.memref_squeeze %dma_wait3A_583 : memref<1x128xi32, #tpu.memory_space<vmem>> -> memref<128xi32, #tpu.memory_space<vmem>>
    %dma_wait3A_585 = arith.constant 0 : i32
    %dma_wait3A_586 = arith.constant 0 : i32
    %dma_wait3A_587 = tpu.memref_slice %arg3[%dma_wait3A_585, %dma_wait3A_586] : memref<100000x128xf32, #tpu.memory_space<hbm>> -> memref<100000x128xf32, #tpu.memory_space<hbm>>
    tpu.wait_indirect_dma semaphore(%arg21 : memref<!tpu.dma_semaphore, #tpu.memory_space<semaphore_mem>>) src(%dma_wait3A_587 : memref<100000x128xf32, #tpu.memory_space<hbm>>) dst(%arg13 : memref<128x128xf32, #tpu.memory_space<vmem>>)
    %mul3A_588 = arith.constant 16 : i32
    %mul3A_589 = arith.muli %select_n3A_30, %mul3A_588 : i32
    %add3A_590 = arith.constant 11 : i32
    %add3A_591 = arith.addi %mul3A_589, %add3A_590 : i32
    %mul3A_592 = arith.constant 2048 : i32
    %mul3A_593 = arith.muli %add3A_591, %mul3A_592 : i32
    %mul3A_594 = arith.constant 128 : i32
    %mul3A_595 = arith.muli %select_n3A, %mul3A_594 : i32
    %add3A_596 = arith.addi %mul3A_593, %mul3A_595 : i32
    %dma_start3A_597 = arith.constant 0 : i32
    %dma_start3A_598 = tpu.memref_slice %arg5[%add3A_596, %dma_start3A_597] : memref<65536x128xf32, #tpu.memory_space<hbm>> -> memref<128x128xf32, #tpu.memory_space<hbm>>
    %dma_start3A_599 = arith.constant 0 : i32
    %dma_start3A_600 = tpu.memref_slice %arg5[%add3A_596, %dma_start3A_599] : memref<65536x128xf32, #tpu.memory_space<hbm>> -> memref<128x128xf32, #tpu.memory_space<hbm>>
    tpu.enqueue_dma source(%arg13 : memref<128x128xf32, #tpu.memory_space<vmem>>) target(%dma_start3A_600 : memref<128x128xf32, #tpu.memory_space<hbm>>) target_semaphore(%arg27 : memref<!tpu.dma_semaphore, #tpu.memory_space<semaphore_mem>>)
    %dma_wait3A_601 = arith.constant 12 : i32
    %dma_wait3A_602 = arith.constant 0 : i32
    %dma_wait3A_603 = tpu.memref_slice %arg6[%dma_wait3A_601, %dma_wait3A_602] : memref<16x128xi32, #tpu.memory_space<vmem>> -> memref<1x128xi32, #tpu.memory_space<vmem>>
    %dma_wait3A_604 = tpu.memref_squeeze %dma_wait3A_603 : memref<1x128xi32, #tpu.memory_space<vmem>> -> memref<128xi32, #tpu.memory_space<vmem>>
    %dma_wait3A_605 = arith.constant 0 : i32
    %dma_wait3A_606 = arith.constant 0 : i32
    %dma_wait3A_607 = tpu.memref_slice %arg3[%dma_wait3A_605, %dma_wait3A_606] : memref<100000x128xf32, #tpu.memory_space<hbm>> -> memref<100000x128xf32, #tpu.memory_space<hbm>>
    tpu.wait_indirect_dma semaphore(%arg16 : memref<!tpu.dma_semaphore, #tpu.memory_space<semaphore_mem>>) src(%dma_wait3A_607 : memref<100000x128xf32, #tpu.memory_space<hbm>>) dst(%arg8 : memref<128x128xf32, #tpu.memory_space<vmem>>)
    %mul3A_608 = arith.constant 16 : i32
    %mul3A_609 = arith.muli %select_n3A_30, %mul3A_608 : i32
    %add3A_610 = arith.constant 12 : i32
    %add3A_611 = arith.addi %mul3A_609, %add3A_610 : i32
    %mul3A_612 = arith.constant 2048 : i32
    %mul3A_613 = arith.muli %add3A_611, %mul3A_612 : i32
    %mul3A_614 = arith.constant 128 : i32
    %mul3A_615 = arith.muli %select_n3A, %mul3A_614 : i32
    %add3A_616 = arith.addi %mul3A_613, %mul3A_615 : i32
    %dma_start3A_617 = arith.constant 0 : i32
    %dma_start3A_618 = tpu.memref_slice %arg5[%add3A_616, %dma_start3A_617] : memref<65536x128xf32, #tpu.memory_space<hbm>> -> memref<128x128xf32, #tpu.memory_space<hbm>>
    %dma_start3A_619 = arith.constant 0 : i32
    %dma_start3A_620 = tpu.memref_slice %arg5[%add3A_616, %dma_start3A_619] : memref<65536x128xf32, #tpu.memory_space<hbm>> -> memref<128x128xf32, #tpu.memory_space<hbm>>
    tpu.enqueue_dma source(%arg8 : memref<128x128xf32, #tpu.memory_space<vmem>>) target(%dma_start3A_620 : memref<128x128xf32, #tpu.memory_space<hbm>>) target_semaphore(%arg22 : memref<!tpu.dma_semaphore, #tpu.memory_space<semaphore_mem>>)
    %dma_wait3A_621 = arith.constant 13 : i32
    %dma_wait3A_622 = arith.constant 0 : i32
    %dma_wait3A_623 = tpu.memref_slice %arg6[%dma_wait3A_621, %dma_wait3A_622] : memref<16x128xi32, #tpu.memory_space<vmem>> -> memref<1x128xi32, #tpu.memory_space<vmem>>
    %dma_wait3A_624 = tpu.memref_squeeze %dma_wait3A_623 : memref<1x128xi32, #tpu.memory_space<vmem>> -> memref<128xi32, #tpu.memory_space<vmem>>
    %dma_wait3A_625 = arith.constant 0 : i32
    %dma_wait3A_626 = arith.constant 0 : i32
    %dma_wait3A_627 = tpu.memref_slice %arg3[%dma_wait3A_625, %dma_wait3A_626] : memref<100000x128xf32, #tpu.memory_space<hbm>> -> memref<100000x128xf32, #tpu.memory_space<hbm>>
    tpu.wait_indirect_dma semaphore(%arg17 : memref<!tpu.dma_semaphore, #tpu.memory_space<semaphore_mem>>) src(%dma_wait3A_627 : memref<100000x128xf32, #tpu.memory_space<hbm>>) dst(%arg9 : memref<128x128xf32, #tpu.memory_space<vmem>>)
    %mul3A_628 = arith.constant 16 : i32
    %mul3A_629 = arith.muli %select_n3A_30, %mul3A_628 : i32
    %add3A_630 = arith.constant 13 : i32
    %add3A_631 = arith.addi %mul3A_629, %add3A_630 : i32
    %mul3A_632 = arith.constant 2048 : i32
    %mul3A_633 = arith.muli %add3A_631, %mul3A_632 : i32
    %mul3A_634 = arith.constant 128 : i32
    %mul3A_635 = arith.muli %select_n3A, %mul3A_634 : i32
    %add3A_636 = arith.addi %mul3A_633, %mul3A_635 : i32
    %dma_start3A_637 = arith.constant 0 : i32
    %dma_start3A_638 = tpu.memref_slice %arg5[%add3A_636, %dma_start3A_637] : memref<65536x128xf32, #tpu.memory_space<hbm>> -> memref<128x128xf32, #tpu.memory_space<hbm>>
    %dma_start3A_639 = arith.constant 0 : i32
    %dma_start3A_640 = tpu.memref_slice %arg5[%add3A_636, %dma_start3A_639] : memref<65536x128xf32, #tpu.memory_space<hbm>> -> memref<128x128xf32, #tpu.memory_space<hbm>>
    tpu.enqueue_dma source(%arg9 : memref<128x128xf32, #tpu.memory_space<vmem>>) target(%dma_start3A_640 : memref<128x128xf32, #tpu.memory_space<hbm>>) target_semaphore(%arg23 : memref<!tpu.dma_semaphore, #tpu.memory_space<semaphore_mem>>)
    %dma_wait3A_641 = arith.constant 14 : i32
    %dma_wait3A_642 = arith.constant 0 : i32
    %dma_wait3A_643 = tpu.memref_slice %arg6[%dma_wait3A_641, %dma_wait3A_642] : memref<16x128xi32, #tpu.memory_space<vmem>> -> memref<1x128xi32, #tpu.memory_space<vmem>>
    %dma_wait3A_644 = tpu.memref_squeeze %dma_wait3A_643 : memref<1x128xi32, #tpu.memory_space<vmem>> -> memref<128xi32, #tpu.memory_space<vmem>>
    %dma_wait3A_645 = arith.constant 0 : i32
    %dma_wait3A_646 = arith.constant 0 : i32
    %dma_wait3A_647 = tpu.memref_slice %arg3[%dma_wait3A_645, %dma_wait3A_646] : memref<100000x128xf32, #tpu.memory_space<hbm>> -> memref<100000x128xf32, #tpu.memory_space<hbm>>
    tpu.wait_indirect_dma semaphore(%arg18 : memref<!tpu.dma_semaphore, #tpu.memory_space<semaphore_mem>>) src(%dma_wait3A_647 : memref<100000x128xf32, #tpu.memory_space<hbm>>) dst(%arg10 : memref<128x128xf32, #tpu.memory_space<vmem>>)
    %mul3A_648 = arith.constant 16 : i32
    %mul3A_649 = arith.muli %select_n3A_30, %mul3A_648 : i32
    %add3A_650 = arith.constant 14 : i32
    %add3A_651 = arith.addi %mul3A_649, %add3A_650 : i32
    %mul3A_652 = arith.constant 2048 : i32
    %mul3A_653 = arith.muli %add3A_651, %mul3A_652 : i32
    %mul3A_654 = arith.constant 128 : i32
    %mul3A_655 = arith.muli %select_n3A, %mul3A_654 : i32
    %add3A_656 = arith.addi %mul3A_653, %mul3A_655 : i32
    %dma_start3A_657 = arith.constant 0 : i32
    %dma_start3A_658 = tpu.memref_slice %arg5[%add3A_656, %dma_start3A_657] : memref<65536x128xf32, #tpu.memory_space<hbm>> -> memref<128x128xf32, #tpu.memory_space<hbm>>
    %dma_start3A_659 = arith.constant 0 : i32
    %dma_start3A_660 = tpu.memref_slice %arg5[%add3A_656, %dma_start3A_659] : memref<65536x128xf32, #tpu.memory_space<hbm>> -> memref<128x128xf32, #tpu.memory_space<hbm>>
    tpu.enqueue_dma source(%arg10 : memref<128x128xf32, #tpu.memory_space<vmem>>) target(%dma_start3A_660 : memref<128x128xf32, #tpu.memory_space<hbm>>) target_semaphore(%arg24 : memref<!tpu.dma_semaphore, #tpu.memory_space<semaphore_mem>>)
    %dma_wait3A_661 = arith.constant 15 : i32
    %dma_wait3A_662 = arith.constant 0 : i32
    %dma_wait3A_663 = tpu.memref_slice %arg6[%dma_wait3A_661, %dma_wait3A_662] : memref<16x128xi32, #tpu.memory_space<vmem>> -> memref<1x128xi32, #tpu.memory_space<vmem>>
    %dma_wait3A_664 = tpu.memref_squeeze %dma_wait3A_663 : memref<1x128xi32, #tpu.memory_space<vmem>> -> memref<128xi32, #tpu.memory_space<vmem>>
    %dma_wait3A_665 = arith.constant 0 : i32
    %dma_wait3A_666 = arith.constant 0 : i32
    %dma_wait3A_667 = tpu.memref_slice %arg3[%dma_wait3A_665, %dma_wait3A_666] : memref<100000x128xf32, #tpu.memory_space<hbm>> -> memref<100000x128xf32, #tpu.memory_space<hbm>>
    tpu.wait_indirect_dma semaphore(%arg19 : memref<!tpu.dma_semaphore, #tpu.memory_space<semaphore_mem>>) src(%dma_wait3A_667 : memref<100000x128xf32, #tpu.memory_space<hbm>>) dst(%arg11 : memref<128x128xf32, #tpu.memory_space<vmem>>)
    %mul3A_668 = arith.constant 16 : i32
    %mul3A_669 = arith.muli %select_n3A_30, %mul3A_668 : i32
    %add3A_670 = arith.constant 15 : i32
    %add3A_671 = arith.addi %mul3A_669, %add3A_670 : i32
    %mul3A_672 = arith.constant 2048 : i32
    %mul3A_673 = arith.muli %add3A_671, %mul3A_672 : i32
    %mul3A_674 = arith.constant 128 : i32
    %mul3A_675 = arith.muli %select_n3A, %mul3A_674 : i32
    %add3A_676 = arith.addi %mul3A_673, %mul3A_675 : i32
    %dma_start3A_677 = arith.constant 0 : i32
    %dma_start3A_678 = tpu.memref_slice %arg5[%add3A_676, %dma_start3A_677] : memref<65536x128xf32, #tpu.memory_space<hbm>> -> memref<128x128xf32, #tpu.memory_space<hbm>>
    %dma_start3A_679 = arith.constant 0 : i32
    %dma_start3A_680 = tpu.memref_slice %arg5[%add3A_676, %dma_start3A_679] : memref<65536x128xf32, #tpu.memory_space<hbm>> -> memref<128x128xf32, #tpu.memory_space<hbm>>
    tpu.enqueue_dma source(%arg11 : memref<128x128xf32, #tpu.memory_space<vmem>>) target(%dma_start3A_680 : memref<128x128xf32, #tpu.memory_space<hbm>>) target_semaphore(%arg25 : memref<!tpu.dma_semaphore, #tpu.memory_space<semaphore_mem>>)
    %dma_wait3A_681 = arith.constant 0 : i32
    %dma_wait3A_682 = tpu.memref_slice %arg5[%add3A_616, %dma_wait3A_681] : memref<65536x128xf32, #tpu.memory_space<hbm>> -> memref<128x128xf32, #tpu.memory_space<hbm>>
    %dma_wait3A_683 = arith.constant 0 : i32
    %dma_wait3A_684 = tpu.memref_slice %arg5[%add3A_616, %dma_wait3A_683] : memref<65536x128xf32, #tpu.memory_space<hbm>> -> memref<128x128xf32, #tpu.memory_space<hbm>>
    tpu.wait_dma2 semaphore(%arg22 : memref<!tpu.dma_semaphore, #tpu.memory_space<semaphore_mem>>) src(%arg8 : memref<128x128xf32, #tpu.memory_space<vmem>>) dst(%dma_wait3A_684 : memref<128x128xf32, #tpu.memory_space<hbm>>)
    %dma_wait3A_685 = arith.constant 0 : i32
    %dma_wait3A_686 = tpu.memref_slice %arg5[%add3A_636, %dma_wait3A_685] : memref<65536x128xf32, #tpu.memory_space<hbm>> -> memref<128x128xf32, #tpu.memory_space<hbm>>
    %dma_wait3A_687 = arith.constant 0 : i32
    %dma_wait3A_688 = tpu.memref_slice %arg5[%add3A_636, %dma_wait3A_687] : memref<65536x128xf32, #tpu.memory_space<hbm>> -> memref<128x128xf32, #tpu.memory_space<hbm>>
    tpu.wait_dma2 semaphore(%arg23 : memref<!tpu.dma_semaphore, #tpu.memory_space<semaphore_mem>>) src(%arg9 : memref<128x128xf32, #tpu.memory_space<vmem>>) dst(%dma_wait3A_688 : memref<128x128xf32, #tpu.memory_space<hbm>>)
    %dma_wait3A_689 = arith.constant 0 : i32
    %dma_wait3A_690 = tpu.memref_slice %arg5[%add3A_656, %dma_wait3A_689] : memref<65536x128xf32, #tpu.memory_space<hbm>> -> memref<128x128xf32, #tpu.memory_space<hbm>>
    %dma_wait3A_691 = arith.constant 0 : i32
    %dma_wait3A_692 = tpu.memref_slice %arg5[%add3A_656, %dma_wait3A_691] : memref<65536x128xf32, #tpu.memory_space<hbm>> -> memref<128x128xf32, #tpu.memory_space<hbm>>
    tpu.wait_dma2 semaphore(%arg24 : memref<!tpu.dma_semaphore, #tpu.memory_space<semaphore_mem>>) src(%arg10 : memref<128x128xf32, #tpu.memory_space<vmem>>) dst(%dma_wait3A_692 : memref<128x128xf32, #tpu.memory_space<hbm>>)
    %dma_wait3A_693 = arith.constant 0 : i32
    %dma_wait3A_694 = tpu.memref_slice %arg5[%add3A_676, %dma_wait3A_693] : memref<65536x128xf32, #tpu.memory_space<hbm>> -> memref<128x128xf32, #tpu.memory_space<hbm>>
    %dma_wait3A_695 = arith.constant 0 : i32
    %dma_wait3A_696 = tpu.memref_slice %arg5[%add3A_676, %dma_wait3A_695] : memref<65536x128xf32, #tpu.memory_space<hbm>> -> memref<128x128xf32, #tpu.memory_space<hbm>>
    tpu.wait_dma2 semaphore(%arg25 : memref<!tpu.dma_semaphore, #tpu.memory_space<semaphore_mem>>) src(%arg11 : memref<128x128xf32, #tpu.memory_space<vmem>>) dst(%dma_wait3A_696 : memref<128x128xf32, #tpu.memory_space<hbm>>)
    %dma_wait3A_697 = arith.constant 0 : i32
    %dma_wait3A_698 = tpu.memref_slice %arg5[%add3A_565, %dma_wait3A_697] : memref<65536x128xf32, #tpu.memory_space<hbm>> -> memref<128x128xf32, #tpu.memory_space<hbm>>
    %dma_wait3A_699 = arith.constant 0 : i32
    %dma_wait3A_700 = tpu.memref_slice %arg5[%add3A_565, %dma_wait3A_699] : memref<65536x128xf32, #tpu.memory_space<hbm>> -> memref<128x128xf32, #tpu.memory_space<hbm>>
    tpu.wait_dma2 semaphore(%arg26 : memref<!tpu.dma_semaphore, #tpu.memory_space<semaphore_mem>>) src(%arg12 : memref<128x128xf32, #tpu.memory_space<vmem>>) dst(%dma_wait3A_700 : memref<128x128xf32, #tpu.memory_space<hbm>>)
    %dma_wait3A_701 = arith.constant 0 : i32
    %dma_wait3A_702 = tpu.memref_slice %arg5[%add3A_596, %dma_wait3A_701] : memref<65536x128xf32, #tpu.memory_space<hbm>> -> memref<128x128xf32, #tpu.memory_space<hbm>>
    %dma_wait3A_703 = arith.constant 0 : i32
    %dma_wait3A_704 = tpu.memref_slice %arg5[%add3A_596, %dma_wait3A_703] : memref<65536x128xf32, #tpu.memory_space<hbm>> -> memref<128x128xf32, #tpu.memory_space<hbm>>
    tpu.wait_dma2 semaphore(%arg27 : memref<!tpu.dma_semaphore, #tpu.memory_space<semaphore_mem>>) src(%arg13 : memref<128x128xf32, #tpu.memory_space<vmem>>) dst(%dma_wait3A_704 : memref<128x128xf32, #tpu.memory_space<hbm>>)
    return
  }
}

</mosaic_0001>

<sc_bundles>
// kernel: _emb_call.3.cloned.1.call-start
scs
__scs_entry_jumppad:
0x0: {  	(pc) =	sbr.rel $0x88, $3  }
0x1: {  	(tag) =	ssettag $0x0;
	lr =	simm.s32 $0x1  }
0x2: {  	[smem:$0x3F9E] =	sst lr;
	_ =	strace $0xD0000000  }
0x3: {  	_ = 	snop  }
0x4: {  	_ = 	snop  }
0x5: {  	_ = 	snop  }
0x6: {  	_ = 	snop  }
0x7: {  	_ = 	snop  }
__scs_overlays_trampoline_lowered:
0x8: {  	[smem:$0x3FAD] =	sst s0  }
0x9: {  	[smem:$0x3FAE] =	sst s1  }
0xa: {  	[smem:$0x3FAF] =	sst s2  }
0xb: {  	[smem:$0x3FB0] =	sst s3  }
0xc: {  	[smem:$0x3FB1] =	sst s4  }
0xd: {  	[smem:$0x3FB2] =	sst s5  }
0xe: {  	[smem:$0x3FB3] =	sst s6  }
0xf: {  	[smem:$0x3FB4] =	sst s7  }
0x10: {  	[smem:$0x3FB5] =	sst s8  }
0x11: {  	[smem:$0x3FB6] =	sst s9;
	s0 =	simm.s32 @!p0 $0x0  }
0x12: {  	s1 =	sld [smem:$0x3F9C];
	s0 =	simm.s32 @p0 $0x1  }
0x13: {  	[smem:$0x3FB7] =	sst s0;
	s0 =	simm.s32 @!p1 $0x0  }
0x14: {  	s2 =	sld [smem:$0x3F9B];
	s0 =	simm.s32 @p1 $0x1  }
0x15: {  	[smem:$0x3FB8] =	sst s0;
	s0 =	simm.s32 @!p2 $0x0  }
0x16: {  	s3 =	sld [smem:$0x3FDB];
	s0 =	simm.s32 @p2 $0x1  }
0x17: {  	s4 =	simm.s32 $0x1BF5;
	[smem:$0x3FBA] =	sst s0  }
0x18: {  	s0 =	sld [smem:$0x3F9D];
	_ =	swait.ge [sflag:s4], $0x0  }
0x19: {  	s7 =	sld [smem:$0x3F9E]  }
0x1a: {  	s8 =	sadd.s32 $0xFFFFE003, lr  }
0x1b: {  	s9 =	sadd.s32 $0xFFFFFEF7, lr;
	s5 =	simm.s32 $0xFFFFFFFF;
	p2 =	slt.u32 s8, $0xFFFFF086  }
0x1c: {  	p1 =	slt.u32 s9, $0xF7A;
	s5 =	simm.s32 @!p2 $0x0  }
0x1d: {  	s5 =	simm.s32 @p1 $0x1;
	p0 =	seq.s32 s7, s2  }
0x1e: {  	s7 =	smul.u32 @!p0 $0xF7A, s2;
	p2 =	seq.s32 @!p0 s5, $0x0  }
0x1f: {  	s9 =	smul.u32 $0xF7A, s1;
	s8 =	simm.s32 @!p0 $0x1BF5;
	p2 =	por !p2, p0  }
0x20: {  	[sflag:s8] =	ssyncset.s32 @!p0 $0xFFFFF086;
	s6 =	sadd.s32 @!p0 s3, s7;
	s7 =	simm.s32 @!p0 $0x108  }
0x21: {  	s3 =	sadd.s32 s3, s9;
	s6 =	sadd.s32 @!p0 $0x88, s6;
	s7 =	simm.s32 @p2 $0x1082  }
0x22: {  	[simem:s7], [sflag:s8] =	dma.local @!p0 [hbm:s6], $0xF7A  }
0x23: {  	s9 =	sor.u32 $0xD0000000, s2;
	s6 =	simm.s32 $0x108;
	_ =	swait.ge @!p0 [sflag:s8], $0x0  }
0x24: {  	s3 =	sadd.s32 $0x88, s3;
	s6 =	simm.s32 @!p1 $0x1082;
	[sflag:s4] =	ssyncset.s32 $0xFFFFF086  }
0x25: {  	[simem:s6], [sflag:s4] =	dma.local [hbm:s3], $0xF7A  }
0x26: {  	[smem:$0x3F9E] =	sst s1;
	(tag) =	ssettag s2;
	_ =	strace s9  }
0x27: {  	s1 =	sld [smem:$0x3FAE]  }
0x28: {  	s2 =	sld [smem:$0x3FAF]  }
0x29: {  	s4 =	sld [smem:$0x3FB1]  }
0x2a: {  	p0 =	seq.s32 s5, $0x0;
	s5 =	sld [smem:$0x3FB2]  }
0x2b: {  	s6 =	sld [smem:$0x3FB3]  }
0x2c: {  	s7 =	sld [smem:$0x3FB4]  }
0x2d: {  	s3 =	simm.s32 $0x108;
	s8 =	sld [smem:$0x3FB5]  }
0x2e: {  	s3 =	simm.s32 @!p0 $0x1082;
	s9 =	sld [smem:$0x3FB6]  }
0x2f: {  	lr =	sadd.s32 s0, s3;
	s0 =	sld [smem:$0x3FAD]  }
0x30: {  	s3 =	sld [smem:$0x3FB0]  }
0x31: {  	[smem:$0x3FB9] =	sst s10  }
0x32: {  	s10 =	sld [smem:$0x3FB7];
	_ =	sdelay $0x3  }
0x33: {  	p0 =	seq.s32 s10, $0x1;
	s10 =	sld [smem:$0x3FB9];
	_ =	sdelay $0x3  }
0x34: {  	[smem:$0x3FB9] =	sst s10  }
0x35: {  	s10 =	sld [smem:$0x3FB8];
	_ =	sdelay $0x3  }
0x36: {  	p1 =	seq.s32 s10, $0x1;
	s10 =	sld [smem:$0x3FB9];
	_ =	sdelay $0x3  }
0x37: {  	[smem:$0x3FB9] =	sst s10  }
0x38: {  	s10 =	sld [smem:$0x3FBA]  }
0x39: {  	_ = 	snop;
	(pc) =	sbr.ind lr, $3  }
0x3a: {  	_ = 	snop  }
0x3b: {  	_ = 	snop  }
0x3c: {  	p2 =	seq.s32 s10, $0x1;
	s10 =	sld [smem:$0x3FB9]  }
0x3d: {  	_ =	shalt  }
0x3e: {  	_ =	shalt  }
0x3f: {  	_ =	shalt  }
0x40: {  	_ =	shalt  }
0x41: {  	_ =	shalt  }
0x42: {  	_ =	shalt  }
0x43: {  	_ =	shalt  }
0x44: {  	_ =	shalt  }
0x45: {  	_ =	shalt  }
0x46: {  	_ =	shalt  }
0x47: {  	_ =	shalt  }
0x48: {  	_ =	shalt  }
0x49: {  	_ =	shalt  }
0x4a: {  	_ =	shalt  }
0x4b: {  	_ =	shalt  }
0x4c: {  	_ =	shalt  }
0x4d: {  	_ =	shalt  }
0x4e: {  	_ =	shalt  }
0x4f: {  	_ =	shalt  }
0x50: {  	_ =	shalt  }
0x51: {  	_ =	shalt  }
0x52: {  	_ =	shalt  }
0x53: {  	_ =	shalt  }
0x54: {  	_ =	shalt  }
0x55: {  	_ =	shalt  }
0x56: {  	_ =	shalt  }
0x57: {  	_ =	shalt  }
0x58: {  	_ =	shalt  }
0x59: {  	_ =	shalt  }
0x5a: {  	_ =	shalt  }
0x5b: {  	_ =	shalt  }
0x5c: {  	_ =	shalt  }
0x5d: {  	_ =	shalt  }
0x5e: {  	_ =	shalt  }
0x5f: {  	_ =	shalt  }
0x60: {  	_ =	shalt  }
0x61: {  	_ =	shalt  }
0x62: {  	_ =	shalt  }
0x63: {  	_ =	shalt  }
0x64: {  	_ =	shalt  }
0x65: {  	_ =	shalt  }
0x66: {  	_ =	shalt  }
0x67: {  	_ =	shalt  }
0x68: {  	_ =	shalt  }
0x69: {  	_ =	shalt  }
0x6a: {  	_ =	shalt  }
0x6b: {  	_ =	shalt  }
0x6c: {  	_ =	shalt  }
0x6d: {  	_ =	shalt  }
0x6e: {  	_ =	shalt  }
0x6f: {  	_ =	shalt  }
0x70: {  	_ =	shalt  }
0x71: {  	_ =	shalt  }
0x72: {  	_ =	shalt  }
0x73: {  	_ =	shalt  }
0x74: {  	_ =	shalt  }
0x75: {  	_ =	shalt  }
0x76: {  	_ =	shalt  }
0x77: {  	_ =	shalt  }
0x78: {  	_ =	shalt  }
0x79: {  	_ =	shalt  }
0x7a: {  	_ =	shalt  }
0x7b: {  	_ =	shalt  }
0x7c: {  	_ =	shalt  }
0x7d: {  	_ =	shalt  }
0x7e: {  	_ =	shalt  }
0x7f: {  	_ =	shalt  }
0x80: {  	_ =	shalt  }
0x81: {  	_ =	shalt  }
0x82: {  	_ =	shalt  }
0x83: {  	_ =	shalt  }
0x84: {  	_ =	shalt  }
0x85: {  	_ =	shalt  }
0x86: {  	_ =	shalt  }
0x87: {  	_ =	shalt  }
.Lfunc_end0:
.L_simem_size_0:
called_computation_lowered:
.L_overlay_start_0:
0x88: {  	s2 =	sld [smem:$0x3FD9]  }
0x89: {  	s3 =	sld [smem:$0x3FFE];
	_ =	sdelay $0x1  }
0x8a: {  	s1 =	srdreg.scid  }
0x8b: {  	s0 =	sand.u32 $0x1, s1  }
0x8c: {  	s18 =	sshll.u32 s0, $0xA;
	s2 =	sadd.s32 s3, s2  }
0x8d: {  	s2 =	sadd.s32 s2, s18  }
0x8e: {  	[smem:$0x3FC5] =	sst s2  }
0x8f: {  	_ = 	snop  }
0x90: {  	s2 =	sld [smem:$0x3FC9]  }
0x91: {  	s19 =	sld [smem:$0x3FC8]  }
0x92: {  	s4 =	sld [smem:$0x3FC7]  }
0x93: {  	s5 =	sld [smem:$0x3FD0];
	(tm) =	ssettm $0x1  }
0x94: {  	s6 =	sld [smem:$0x3FFB];
	_ =	sdelay $0x3  }
0x95: {  	_ =	strace s6  }
0x96: {  	s6 =	sld [smem:$0x3FFC];
	_ =	sdelay $0x3  }
0x97: {  	_ =	strace s6  }
0x98: {  	s6 =	sld [smem:$0x3FFD];
	_ =	sdelay $0x3  }
0x99: {  	_ =	strace s6  }
0x9a: {  	_ =	strace $0x8FFFFFFF  }
0x9b: {  	s20 =	sld [smem:$0x3FDB];
	_ =	sdelay $0x1  }
0x9c: {  	s7 =	simm.s32 $_scs_section_size  }
0x9d: {  	s8 =	simm.s32 $_size__tile_overlayer_lowered;
	s9 =	simm.s32 $_tile_overlayer_lowered  }
0x9e: {  	s23 =	simm.s32 $0x1BFF;
	s22 =	sshll.u32 s9, $0x1;
	s6 =	sadd.s32 s7, s20  }
0x9f: {  	s10 =	simm.s32 $0x0;
	s21 =	sshll.u32 s8, $0x1;
	s8 =	sadd.s32 s22, s6  }
0xa0: {  	[timem:s10], [sflag:s23] =	dma.local [hbm:s8], s21  }
0xa1: {  	_ =	swait.ge [sflag:s23], s21  }
0xa2: {  	s7 =	ssub.s32 $0x0, s21;
	[sflag:s23] =	ssyncset.done $0x0  }
0xa3: {  	[sflag:s23] =	ssyncadd.s32 s7;
	_ =	sdelay $0x1  }
0xa4: {  	s24 =	simm.s32 $0x1B8B  }
0xa5: {  	_ =	swait.ge [sflag:s24], $0x1  }
0xa6: {  	[sflag:s24] =	ssyncset.done $0x0  }
0xa7: {  	s25 =	simm.s32 $0x1B8E;
	[sflag:s24] =	ssyncadd.s32 $0xFFFFFFFF  }
0xa8: {  	s26 =	simm.s32 $execute0_lowered;
	[smem:$0x3FD2] =	sst s25  }
0xa9: {  	s7 =	sshll.u32 s26, $0x1;
	_ =	strace $0x80000046;
	[dreg:$0x1] =	wrdreg $0xFFFFFFFF  }
0xaa: {  	s28 =	simm.s32 $_size_execute0_lowered;
	s6 =	sadd.s32 s6, s7;
	[dreg:$0x0] =	wrdreg $0x0  }
0xab: {  	s7 =	sshll.u32 s28, $0x1;
	[dreg:$0x2] =	wrdreg s6  }
0xac: {  	[dreg:$0x3] =	wrdreg s7  }
0xad: {  	[dreg:$0x4] =	wrdreg $0xC0  }
0xae: {  	_ =	task [dreg:s10], $0x5FFFF  }
0xaf: {  	[dreg:$0x1] =	wrdreg $0xFFFFFFFF  }
0xb0: {  	[dreg:$0x0] =	wrdreg $0x60  }
0xb1: {  	[dreg:$0x2] =	wrdreg s2  }
0xb2: {  	[dreg:$0x3] =	wrdreg s19  }
0xb3: {  	[dreg:$0x4] =	wrdreg s4  }
0xb4: {  	[dreg:$0x5] =	wrdreg s5  }
0xb5: {  	[dreg:$0x6] =	wrdreg $0x8000  }
0xb6: {  	[dreg:$0x7] =	wrdreg $0x9  }
0xb7: {  	_ =	task.clear_ibuf [dreg:s10], $0x8FFFF;
	_ =	strace $0x90000046  }
0xb8: {  	s29 =	simm.s32 $0x9;
	_ =	strace $0x80000048  }
0xb9: {  	_ =	swait.ge [sflag:s29], $0x1  }
0xba: {  	[sflag:s29] =	ssyncadd.s32 $0xFFFFFFFF  }
0xbb: {  	_ =	strace $0x90000048  }
0xbc: {  	_ =	sfence  }
0xbd: {  	s30 =	sld [smem:$0x0];
	_ =	sdelay $0x2  }
0xbe: {  	s31 =	sshll.u32 s1, $0xD;
	s1 =	sshrl.u32 s1, $0x2  }
0xbf: {  	s3 =	sand.u32 $0x4000, s31;
	s1 =	sadd.s32 s1, s30  }
0xc0: {  	s0 =	sor.u32 s3, s0;
	s1 =	sshll.u32 s1, $0x11  }
0xc1: {  	s0 =	sor.u32 s1, s0  }
0xc2: {  	s0 =	sadd.s32 $0x8F2B, s0  }
0xc3: {  	[sflag:s0] =	ssyncadd.remote.s32 $0x1  }
0xc4: {  	_ =	sfence.sel $0xFFFF  }
0xc5: {  	[dreg:$0x0] =	wrdreg $0xFFFFFFFF;
	(pc) =	sbr.abs _section_cstart, $3  }
0xc6: {  	[dreg:$0x1] =	wrdreg $0xFFFFFFFF  }
0xc7: {  	_ =	task.clear_ibuf [dreg:s10], $0x2FFFF;
	_ =	strace $0x9FFFFFFF  }
0xc8: {  	(tm) =	ssettm $0x7FFFFFFF  }
0xc9: {  	_ =	shalt  }
tec
execute0_lowered:
.L_overlay_start_1:
0x0: {  	(tag) =	ssettag $0x1  }
0x1: {  	s4 =	rddreg [dreg:$0x0]  }
0x2: {  	s0 =	srdreg.scid;
	s1 =	rddreg [dreg:$0x1]  }
0x3: {  	s7 =	stileid.u32;
	s5 =	rddreg [dreg:$0x2];
	s14 =	sand.u32 $0x1, s0  }
0x4: {  	s2 =	simm.s32 $0x1;
	s6 =	rddreg [dreg:$0x3];
	s0 =	sor.u32 s14, s7  }
0x5: {  	s3 =	simm.s32 $0x0;
	p1 =	seq.s32 s14, $0x1;
	p0 =	seq.s32 s0, $0x0  }
0x6: {  	[smem:$0x7FF] =	sst s3;
	s21 =	sshll.u32 s7, $0x6;
	p0 =	por !p0, !p1  }
0x7: {  	s22 =	sor.u32 $0x1C01, s21;
	s23 =	sshll.u32 s14, $0xF;
	p0 =	por !p0, !p0  }
0x8: {  	s0 =	rddreg [dreg:$0x4];
	_ =	strace $0x80000047;
	s2 =	simm.s32 @!p0 $0x0  }
0x9: {  	[dreg:$0x7] =	wrdreg s22;
	s22 =	simm.s32 $0x4000;
	s2 =	ssub.s32 s7, s2  }
0xa: {  	s10 =	sshll.u32 s14, $0x16;
	[dreg:$0x19] =	wrdreg s22;
	s8 =	sshll.u32 s2, $0xB  }
0xb: {  	s24 =	sshll.u32 s2, $0xA;
	s11 =	sshll.u32 s2, $0xE;
	s8 =	sand.u32 $0x1FFFF800, s8  }
0xc: {  	s10 =	sadd.s32 s10, s11;
	s5 =	sadd.s32 s5, s8;
	s8 =	sadd.s32 s23, s24  }
0xd: {  	s25 =	sshrl.u32 s10, $0x3;
	s24 =	simm.s32 $0x180;
	[dreg:$0x6] =	wrdreg s5  }
0xe: {  	s9 =	sshll.u32 s2, $0x7;
	s26 =	sadd.s32 s6, s25;
	[dreg:$0x1b] =	wrdreg s24  }
0xf: {  	s5 =	sadd.s32 s23, s9;
	s23 =	simm.s32 $0x100;
	[dreg:$0x9] =	wrdreg s26  }
0x10: {  	s8 =	sshrl.u32 s8, $0x3;
	s25 =	simm.s32 $0x200;
	[dreg:$0x1a] =	wrdreg s23  }
0x11: {  	s4 =	sadd.s32 s4, s8;
	s5 =	sshll.u32 s5, $0x4;
	[dreg:$0x1c] =	wrdreg s25  }
0x12: {  	s26 =	simm.s32 $0x280;
	[dreg:$0x8] =	wrdreg s4;
	s5 =	sadd.s32 s6, s5  }
0x13: {  	[dreg:$0x1d] =	wrdreg s26;
	s6 =	sadd.s32 $0x8000, s5  }
0x14: {  	s7 =	sadd.s32 $0x10000, s5;
	[dreg:$0xa] =	wrdreg s6  }
0x15: {  	s8 =	sadd.s32 $0x18000, s5;
	[dreg:$0xb] =	wrdreg s7  }
0x16: {  	s9 =	sadd.s32 $0x20000, s5;
	[dreg:$0xc] =	wrdreg s8  }
0x17: {  	s10 =	sadd.s32 $0x28000, s5;
	[dreg:$0xd] =	wrdreg s9  }
0x18: {  	s11 =	sadd.s32 $0x30000, s5;
	[dreg:$0xe] =	wrdreg s10  }
0x19: {  	s12 =	sadd.s32 $0x38000, s5;
	[dreg:$0xf] =	wrdreg s11  }
0x1a: {  	s13 =	sadd.s32 $0x40000, s5;
	[dreg:$0x10] =	wrdreg s12  }
0x1b: {  	s15 =	sadd.s32 $0x48000, s5;
	[dreg:$0x11] =	wrdreg s13  }
0x1c: {  	s16 =	sadd.s32 $0x50000, s5;
	[dreg:$0x12] =	wrdreg s15  }
0x1d: {  	s17 =	sadd.s32 $0x58000, s5;
	[dreg:$0x13] =	wrdreg s16  }
0x1e: {  	s18 =	sadd.s32 $0x60000, s5;
	[dreg:$0x14] =	wrdreg s17  }
0x1f: {  	s19 =	sadd.s32 $0x68000, s5;
	[dreg:$0x15] =	wrdreg s18  }
0x20: {  	s20 =	sadd.s32 $0x70000, s5;
	[dreg:$0x16] =	wrdreg s19  }
0x21: {  	s21 =	sadd.s32 $0x78000, s5;
	[dreg:$0x17] =	wrdreg s20  }
0x22: {  	s5 =	simm.s32 $0x300;
	[dreg:$0x18] =	wrdreg s21  }
0x23: {  	[dreg:$0x1e] =	wrdreg s5  }
0x24: {  	s12 =	rddreg [dreg:$0x7]  }
0x25: {  	s6 =	simm.s32 $0x380;
	s15 =	rddreg [dreg:$0x6]  }
0x26: {  	s7 =	simm.s32 $0x480;
	[dreg:$0x1f] =	wrdreg s6  }
0x27: {  	s8 =	simm.s32 $0x500;
	[smem:$0x7F7] =	sst s7  }
0x28: {  	s9 =	simm.s32 $0x580;
	[smem:$0x7F8] =	sst s8  }
0x29: {  	s10 =	simm.s32 $0x600;
	[smem:$0x7F9] =	sst s9  }
0x2a: {  	s2 =	sshll.u32 s2, $0x10;
	s11 =	simm.s32 $0x680;
	[smem:$0x7FA] =	sst s10  }
0x2b: {  	s2 =	sshra.s32 s2, $0x2;
	s13 =	simm.s32 $0x700;
	[smem:$0x7FB] =	sst s11  }
0x2c: {  	s4 =	sadd.s32 s2, s0;
	s16 =	simm.s32 $0x780;
	[smem:$0x7FC] =	sst s13  }
0x2d: {  	s17 =	sshrl.u32 s4, $0x3;
	[smem:$0x7FD] =	sst s16  }
0x2e: {  	[smem:$0x7F6] =	sst s17  }
0x2f: {  	[spmem:s17], [sflag:s12] =	dma.local [hbm:s15], $0x800  }
0x30: {  	s0 =	rddreg [dreg:$0x8]  }
0x31: {  	s19 =	simm.s32 $0x1;
	s6 =	simm.s32 $0x400;
	s18 =	rddreg [dreg:$0x19]  }
0x32: {  	[tilespmem:s3], [sflag:$0x2] =	stream.strided.gather [hbm4b:s0+s6], $0x800, s18, s6, $0x38;
	[tilespmem:$0x1C800] =	vst v63  }
0x33: {  	_ =	swait.ge [sflag:s19], $0x800  }
0x34: {  	[sflag:s19] =	ssyncset.done $0x0  }
0x35: {  	s8 =	simm.s32 $0x4800;
	[sflag:s19] =	ssyncadd.s32 $0xFFFFF800  }
0x36: {  	[tilespmem:s8], [sflag:$0xF] =	stream.linear.gather [spmem:s4], $0x4000, $0x38;
	[tilespmem:$0x1C800] =	vst v63  }
0x37: {  	s9 =	simm.s32 $0x8800  }
0x38: {  	[tilespmem:s9], [sflag:$0x10] =	stream.linear.gather [spmem:s4], $0x4000, $0x38;
	[tilespmem:$0x1C800] =	vst v63  }
0x39: {  	s10 =	simm.s32 $0xC800  }
0x3a: {  	[tilespmem:s10], [sflag:$0x11] =	stream.linear.gather [spmem:s4], $0x4000, $0x38;
	[tilespmem:$0x1C800] =	vst v63  }
0x3b: {  	s11 =	simm.s32 $0x10800  }
0x3c: {  	[tilespmem:s11], [sflag:$0x12] =	stream.linear.gather [spmem:s4], $0x4000, $0x38;
	[tilespmem:$0x1C800] =	vst v63  }
0x3d: {  	s12 =	simm.s32 $0x14800  }
0x3e: {  	[tilespmem:s12], [sflag:$0x13] =	stream.linear.gather [spmem:s4], $0x4000, $0x38;
	[tilespmem:$0x1C800] =	vst v63  }
0x3f: {  	s20 =	simm.s32 $0x2;
	s13 =	simm.s32 $0x18800  }
0x40: {  	[tilespmem:s13], [sflag:$0x14] =	stream.linear.gather [spmem:s4], $0x4000, $0x38;
	[tilespmem:$0x1C800] =	vst v63  }
0x41: {  	_ =	swait.ge [sflag:s20], $0x800  }
0x42: {  	[sflag:s20] =	ssyncset.done $0x0  }
0x43: {  	s15 =	simm.s32 $0xF;
	[sflag:s20] =	ssyncadd.s32 $0xFFFFF800  }
0x44: {  	_ =	swait.ge [sflag:s15], $0x4000  }
0x45: {  	[sflag:s15] =	ssyncset.done $0x0  }
0x46: {  	s16 =	simm.s32 $0x80;
	s17 =	simm.s32 $0x10;
	[sflag:s15] =	ssyncadd.s32 $0xFFFFC000  }
0x47: {  	[tilespmem:s8], [sflag:$0x3] =	stream.indirect.gather.add.f32 [hbm:s1], $0x80, s3, s16, $0xb8;
	[tilespmem:$0x1C800] =	vst v63  }
0x48: {  	_ =	swait.ge [sflag:s17], $0x4000  }
0x49: {  	[sflag:s17] =	ssyncset.done $0x0  }
0x4a: {  	s18 =	simm.s32 $0x11;
	[sflag:s17] =	ssyncadd.s32 $0xFFFFC000  }
0x4b: {  	[tilespmem:s9], [sflag:$0x4] =	stream.indirect.gather.add.f32 [hbm:s1], $0x80, s16, s16, $0xb8;
	[tilespmem:$0x1C800] =	vst v63  }
0x4c: {  	_ =	swait.ge [sflag:s18], $0x4000  }
0x4d: {  	[sflag:s18] =	ssyncset.done $0x0  }
0x4e: {  	s19 =	simm.s32 $0x12;
	s21 =	rddreg [dreg:$0x1a];
	[sflag:s18] =	ssyncadd.s32 $0xFFFFC000  }
0x4f: {  	[tilespmem:s10], [sflag:$0x5] =	stream.indirect.gather.add.f32 [hbm:s1], $0x80, s21, s16, $0xb8;
	[tilespmem:$0x1C800] =	vst v63  }
0x50: {  	_ =	swait.ge [sflag:s19], $0x4000  }
0x51: {  	[sflag:s19] =	ssyncset.done $0x0  }
0x52: {  	s20 =	simm.s32 $0x13;
	s22 =	rddreg [dreg:$0x1b];
	[sflag:s19] =	ssyncadd.s32 $0xFFFFC000  }
0x53: {  	[tilespmem:s11], [sflag:$0x6] =	stream.indirect.gather.add.f32 [hbm:s1], $0x80, s22, s16, $0xb8;
	[tilespmem:$0x1C800] =	vst v63  }
0x54: {  	_ =	swait.ge [sflag:s20], $0x4000  }
0x55: {  	[sflag:s20] =	ssyncset.done $0x0  }
0x56: {  	s21 =	simm.s32 $0x3;
	s23 =	rddreg [dreg:$0x1c];
	[sflag:s20] =	ssyncadd.s32 $0xFFFFC000  }
0x57: {  	[tilespmem:s12], [sflag:$0x7] =	stream.indirect.gather.add.f32 [hbm:s1], $0x80, s23, s16, $0xb8;
	[tilespmem:$0x1C800] =	vst v63  }
0x58: {  	_ =	swait.ge [sflag:s21], $0x4000  }
0x59: {  	[sflag:s21] =	ssyncset.done $0x0  }
0x5a: {  	s22 =	simm.s32 $0x9;
	s24 =	rddreg [dreg:$0x9];
	[sflag:s21] =	ssyncadd.s32 $0xFFFFC000  }
0x5b: {  	[hbm4b:s24+s3] =	stream.linear.scatter [tilespmem:s8], [sflag:$0x9], $0x4000, $0x38;
	[tilespmem:$0x1C800] =	vst v63  }
0x5c: {  	_ =	swait.ge [sflag:s22], $0x4000  }
0x5d: {  	[sflag:s22] =	ssyncset.done $0x0  }
0x5e: {  	s23 =	simm.s32 $0x14;
	[sflag:s22] =	ssyncadd.s32 $0xFFFFC000  }
0x5f: {  	[tilespmem:s8], [sflag:$0xF] =	stream.linear.gather [spmem:s4], $0x4000, $0x38;
	[tilespmem:$0x1C800] =	vst v63  }
0x60: {  	_ =	swait.ge [sflag:s23], $0x4000  }
0x61: {  	[sflag:s23] =	ssyncset.done $0x0  }
0x62: {  	s24 =	simm.s32 $0x4;
	s25 =	rddreg [dreg:$0x1d];
	[sflag:s23] =	ssyncadd.s32 $0xFFFFC000  }
0x63: {  	[tilespmem:s13], [sflag:$0x8] =	stream.indirect.gather.add.f32 [hbm:s1], $0x80, s25, s16, $0xb8;
	[tilespmem:$0x1C800] =	vst v63  }
0x64: {  	_ =	swait.ge [sflag:s24], $0x4000  }
0x65: {  	[sflag:s24] =	ssyncset.done $0x0  }
0x66: {  	s25 =	simm.s32 $0xA;
	s26 =	rddreg [dreg:$0xa];
	[sflag:s24] =	ssyncadd.s32 $0xFFFFC000  }
0x67: {  	[hbm4b:s26+s3] =	stream.linear.scatter [tilespmem:s9], [sflag:$0xA], $0x4000, $0x38;
	[tilespmem:$0x1C800] =	vst v63  }
0x68: {  	_ =	swait.ge [sflag:s25], $0x4000  }
0x69: {  	[sflag:s25] =	ssyncset.done $0x0  }
0x6a: {  	[sflag:s25] =	ssyncadd.s32 $0xFFFFC000  }
0x6b: {  	[tilespmem:s9], [sflag:$0x10] =	stream.linear.gather [spmem:s4], $0x4000, $0x38;
	[tilespmem:$0x1C800] =	vst v63  }
0x6c: {  	_ =	swait.ge [sflag:s15], $0x4000  }
0x6d: {  	[sflag:s15] =	ssyncset.done $0x0  }
0x6e: {  	s26 =	simm.s32 $0x5;
	s2 =	rddreg [dreg:$0x1e];
	[sflag:s15] =	ssyncadd.s32 $0xFFFFC000  }
0x6f: {  	[tilespmem:s8], [sflag:$0x3] =	stream.indirect.gather.add.f32 [hbm:s1], $0x80, s2, s16, $0xb8;
	[tilespmem:$0x1C800] =	vst v63  }
0x70: {  	_ =	swait.ge [sflag:s26], $0x4000  }
0x71: {  	[sflag:s26] =	ssyncset.done $0x0  }
0x72: {  	s28 =	simm.s32 $0xB;
	s5 =	rddreg [dreg:$0xb];
	[sflag:s26] =	ssyncadd.s32 $0xFFFFC000  }
0x73: {  	[hbm4b:s5+s3] =	stream.linear.scatter [tilespmem:s10], [sflag:$0xB], $0x4000, $0x38;
	[tilespmem:$0x1C800] =	vst v63  }
0x74: {  	_ =	swait.ge [sflag:s28], $0x4000  }
0x75: {  	[sflag:s28] =	ssyncset.done $0x0  }
0x76: {  	[sflag:s28] =	ssyncadd.s32 $0xFFFFC000  }
0x77: {  	[tilespmem:s10], [sflag:$0x11] =	stream.linear.gather [spmem:s4], $0x4000, $0x38;
	[tilespmem:$0x1C800] =	vst v63  }
0x78: {  	_ =	swait.ge [sflag:s17], $0x4000  }
0x79: {  	[sflag:s17] =	ssyncset.done $0x0  }
0x7a: {  	s29 =	simm.s32 $0x6;
	s7 =	rddreg [dreg:$0x1f];
	[sflag:s17] =	ssyncadd.s32 $0xFFFFC000  }
0x7b: {  	[tilespmem:s9], [sflag:$0x4] =	stream.indirect.gather.add.f32 [hbm:s1], $0x80, s7, s16, $0xb8;
	[tilespmem:$0x1C800] =	vst v63  }
0x7c: {  	_ =	swait.ge [sflag:s29], $0x4000  }
0x7d: {  	[sflag:s29] =	ssyncset.done $0x0  }
0x7e: {  	s30 =	simm.s32 $0xC;
	s2 =	rddreg [dreg:$0xc];
	[sflag:s29] =	ssyncadd.s32 $0xFFFFC000  }
0x7f: {  	[hbm4b:s2+s3] =	stream.linear.scatter [tilespmem:s11], [sflag:$0xC], $0x4000, $0x38;
	[tilespmem:$0x1C800] =	vst v63  }
0x80: {  	_ =	swait.ge [sflag:s30], $0x4000  }
0x81: {  	[sflag:s30] =	ssyncset.done $0x0  }
0x82: {  	[sflag:s30] =	ssyncadd.s32 $0xFFFFC000  }
0x83: {  	[tilespmem:s11], [sflag:$0x12] =	stream.linear.gather [spmem:s4], $0x4000, $0x38;
	[tilespmem:$0x1C800] =	vst v63  }
0x84: {  	_ =	swait.ge [sflag:s18], $0x4000  }
0x85: {  	[sflag:s18] =	ssyncset.done $0x0  }
0x86: {  	s31 =	simm.s32 $0x7;
	[sflag:s18] =	ssyncadd.s32 $0xFFFFC000  }
0x87: {  	[tilespmem:s10], [sflag:$0x5] =	stream.indirect.gather.add.f32 [hbm:s1], $0x80, s6, s16, $0xb8;
	[tilespmem:$0x1C800] =	vst v63  }
0x88: {  	_ =	swait.ge [sflag:s31], $0x4000  }
0x89: {  	[sflag:s31] =	ssyncset.done $0x0  }
0x8a: {  	s2 =	simm.s32 $0xD;
	s5 =	rddreg [dreg:$0xd];
	[sflag:s31] =	ssyncadd.s32 $0xFFFFC000  }
0x8b: {  	[hbm4b:s5+s3] =	stream.linear.scatter [tilespmem:s12], [sflag:$0xD], $0x4000, $0x38;
	[tilespmem:$0x1C800] =	vst v63  }
0x8c: {  	_ =	swait.ge [sflag:s2], $0x4000  }
0x8d: {  	[sflag:s2] =	ssyncset.done $0x0  }
0x8e: {  	[sflag:s2] =	ssyncadd.s32 $0xFFFFC000  }
0x8f: {  	[tilespmem:s12], [sflag:$0x13] =	stream.linear.gather [spmem:s4], $0x4000, $0x38;
	[tilespmem:$0x1C800] =	vst v63  }
0x90: {  	_ =	swait.ge [sflag:s19], $0x4000  }
0x91: {  	s6 =	sld [smem:$0x7F7]  }
0x92: {  	[sflag:s19] =	ssyncset.done $0x0  }
0x93: {  	s0 =	simm.s32 $0x8;
	[sflag:s19] =	ssyncadd.s32 $0xFFFFC000  }
0x94: {  	[tilespmem:s11], [sflag:$0x6] =	stream.indirect.gather.add.f32 [hbm:s1], $0x80, s6, s16, $0xb8;
	[tilespmem:$0x1C800] =	vst v63  }
0x95: {  	_ =	swait.ge [sflag:s0], $0x4000  }
0x96: {  	[sflag:s0] =	ssyncset.done $0x0  }
0x97: {  	s5 =	simm.s32 $0xE;
	s7 =	rddreg [dreg:$0xe];
	[sflag:s0] =	ssyncadd.s32 $0xFFFFC000  }
0x98: {  	[hbm4b:s7+s3] =	stream.linear.scatter [tilespmem:s13], [sflag:$0xE], $0x4000, $0x38;
	[tilespmem:$0x1C800] =	vst v63  }
0x99: {  	_ =	swait.ge [sflag:s5], $0x4000  }
0x9a: {  	[sflag:s5] =	ssyncset.done $0x0  }
0x9b: {  	[sflag:s5] =	ssyncadd.s32 $0xFFFFC000  }
0x9c: {  	[tilespmem:s13], [sflag:$0x14] =	stream.linear.gather [spmem:s4], $0x4000, $0x38;
	[tilespmem:$0x1C800] =	vst v63  }
0x9d: {  	_ =	swait.ge [sflag:s20], $0x4000  }
0x9e: {  	s6 =	sld [smem:$0x7F8]  }
0x9f: {  	[sflag:s20] =	ssyncset.done $0x0  }
0xa0: {  	[sflag:s20] =	ssyncadd.s32 $0xFFFFC000  }
0xa1: {  	[tilespmem:s12], [sflag:$0x7] =	stream.indirect.gather.add.f32 [hbm:s1], $0x80, s6, s16, $0xb8;
	[tilespmem:$0x1C800] =	vst v63  }
0xa2: {  	_ =	swait.ge [sflag:s21], $0x4000  }
0xa3: {  	[sflag:s21] =	ssyncset.done $0x0  }
0xa4: {  	s6 =	rddreg [dreg:$0xf];
	[sflag:s21] =	ssyncadd.s32 $0xFFFFC000  }
0xa5: {  	[hbm4b:s6+s3] =	stream.linear.scatter [tilespmem:s8], [sflag:$0x9], $0x4000, $0x38;
	[tilespmem:$0x1C800] =	vst v63  }
0xa6: {  	_ =	swait.ge [sflag:s22], $0x4000  }
0xa7: {  	[sflag:s22] =	ssyncset.done $0x0  }
0xa8: {  	[sflag:s22] =	ssyncadd.s32 $0xFFFFC000  }
0xa9: {  	[tilespmem:s8], [sflag:$0xF] =	stream.linear.gather [spmem:s4], $0x4000, $0x38;
	[tilespmem:$0x1C800] =	vst v63  }
0xaa: {  	_ =	swait.ge [sflag:s23], $0x4000  }
0xab: {  	s6 =	sld [smem:$0x7F9]  }
0xac: {  	[sflag:s23] =	ssyncset.done $0x0  }
0xad: {  	[sflag:s23] =	ssyncadd.s32 $0xFFFFC000  }
0xae: {  	[tilespmem:s13], [sflag:$0x8] =	stream.indirect.gather.add.f32 [hbm:s1], $0x80, s6, s16, $0xb8;
	[tilespmem:$0x1C800] =	vst v63  }
0xaf: {  	_ =	swait.ge [sflag:s24], $0x4000  }
0xb0: {  	[sflag:s24] =	ssyncset.done $0x0  }
0xb1: {  	s6 =	rddreg [dreg:$0x10];
	[sflag:s24] =	ssyncadd.s32 $0xFFFFC000  }
0xb2: {  	[hbm4b:s6+s3] =	stream.linear.scatter [tilespmem:s9], [sflag:$0xA], $0x4000, $0x38;
	[tilespmem:$0x1C800] =	vst v63  }
0xb3: {  	_ =	swait.ge [sflag:s25], $0x4000  }
0xb4: {  	[sflag:s25] =	ssyncset.done $0x0  }
0xb5: {  	[sflag:s25] =	ssyncadd.s32 $0xFFFFC000  }
0xb6: {  	[tilespmem:s9], [sflag:$0x10] =	stream.linear.gather [spmem:s4], $0x4000, $0x38;
	[tilespmem:$0x1C800] =	vst v63  }
0xb7: {  	_ =	swait.ge [sflag:s15], $0x4000  }
0xb8: {  	s6 =	sld [smem:$0x7FA]  }
0xb9: {  	[sflag:s15] =	ssyncset.done $0x0  }
0xba: {  	[sflag:s15] =	ssyncadd.s32 $0xFFFFC000  }
0xbb: {  	[tilespmem:s8], [sflag:$0x3] =	stream.indirect.gather.add.f32 [hbm:s1], $0x80, s6, s16, $0xb8;
	[tilespmem:$0x1C800] =	vst v63  }
0xbc: {  	_ =	swait.ge [sflag:s26], $0x4000  }
0xbd: {  	[sflag:s26] =	ssyncset.done $0x0  }
0xbe: {  	s6 =	rddreg [dreg:$0x11];
	[sflag:s26] =	ssyncadd.s32 $0xFFFFC000  }
0xbf: {  	[hbm4b:s6+s3] =	stream.linear.scatter [tilespmem:s10], [sflag:$0xB], $0x4000, $0x38;
	[tilespmem:$0x1C800] =	vst v63  }
0xc0: {  	_ =	swait.ge [sflag:s28], $0x4000  }
0xc1: {  	[sflag:s28] =	ssyncset.done $0x0  }
0xc2: {  	[sflag:s28] =	ssyncadd.s32 $0xFFFFC000  }
0xc3: {  	[tilespmem:s10], [sflag:$0x11] =	stream.linear.gather [spmem:s4], $0x4000, $0x38;
	[tilespmem:$0x1C800] =	vst v63  }
0xc4: {  	_ =	swait.ge [sflag:s17], $0x4000  }
0xc5: {  	s6 =	sld [smem:$0x7FB]  }
0xc6: {  	[sflag:s17] =	ssyncset.done $0x0  }
0xc7: {  	[sflag:s17] =	ssyncadd.s32 $0xFFFFC000  }
0xc8: {  	[tilespmem:s9], [sflag:$0x4] =	stream.indirect.gather.add.f32 [hbm:s1], $0x80, s6, s16, $0xb8;
	[tilespmem:$0x1C800] =	vst v63  }
0xc9: {  	_ =	swait.ge [sflag:s29], $0x4000  }
0xca: {  	[sflag:s29] =	ssyncset.done $0x0  }
0xcb: {  	s6 =	rddreg [dreg:$0x12];
	[sflag:s29] =	ssyncadd.s32 $0xFFFFC000  }
0xcc: {  	[hbm4b:s6+s3] =	stream.linear.scatter [tilespmem:s11], [sflag:$0xC], $0x4000, $0x38;
	[tilespmem:$0x1C800] =	vst v63  }
0xcd: {  	_ =	swait.ge [sflag:s30], $0x4000  }
0xce: {  	[sflag:s30] =	ssyncset.done $0x0  }
0xcf: {  	[sflag:s30] =	ssyncadd.s32 $0xFFFFC000  }
0xd0: {  	[tilespmem:s11], [sflag:$0x12] =	stream.linear.gather [spmem:s4], $0x4000, $0x38;
	[tilespmem:$0x1C800] =	vst v63  }
0xd1: {  	_ =	swait.ge [sflag:s18], $0x4000  }
0xd2: {  	s6 =	sld [smem:$0x7FC]  }
0xd3: {  	[sflag:s18] =	ssyncset.done $0x0  }
0xd4: {  	[sflag:s18] =	ssyncadd.s32 $0xFFFFC000  }
0xd5: {  	[tilespmem:s10], [sflag:$0x5] =	stream.indirect.gather.add.f32 [hbm:s1], $0x80, s6, s16, $0xb8;
	[tilespmem:$0x1C800] =	vst v63  }
0xd6: {  	_ =	swait.ge [sflag:s31], $0x4000  }
0xd7: {  	[sflag:s31] =	ssyncset.done $0x0  }
0xd8: {  	s6 =	rddreg [dreg:$0x13];
	[sflag:s31] =	ssyncadd.s32 $0xFFFFC000  }
0xd9: {  	[hbm4b:s6+s3] =	stream.linear.scatter [tilespmem:s12], [sflag:$0xD], $0x4000, $0x38;
	[tilespmem:$0x1C800] =	vst v63  }
0xda: {  	_ =	swait.ge [sflag:s19], $0x4000  }
0xdb: {  	s12 =	sld [smem:$0x7FD]  }
0xdc: {  	[sflag:s19] =	ssyncset.done $0x0  }
0xdd: {  	[sflag:s19] =	ssyncadd.s32 $0xFFFFC000  }
0xde: {  	[tilespmem:s11], [sflag:$0x6] =	stream.indirect.gather.add.f32 [hbm:s1], $0x80, s12, s16, $0xb8;
	[tilespmem:$0x1C800] =	vst v63  }
0xdf: {  	_ =	swait.ge [sflag:s0], $0x4000  }
0xe0: {  	[sflag:s0] =	ssyncset.done $0x0  }
0xe1: {  	s6 =	rddreg [dreg:$0x14];
	[sflag:s0] =	ssyncadd.s32 $0xFFFFC000  }
0xe2: {  	[hbm4b:s6+s3] =	stream.linear.scatter [tilespmem:s13], [sflag:$0xE], $0x4000, $0x38;
	[tilespmem:$0x1C800] =	vst v63  }
0xe3: {  	_ =	swait.ge [sflag:s21], $0x4000  }
0xe4: {  	[sflag:s21] =	ssyncset.done $0x0  }
0xe5: {  	s12 =	rddreg [dreg:$0x15];
	[sflag:s21] =	ssyncadd.s32 $0xFFFFC000  }
0xe6: {  	[hbm4b:s12+s3] =	stream.linear.scatter [tilespmem:s8], [sflag:$0x9], $0x4000, $0x38;
	[tilespmem:$0x1C800] =	vst v63  }
0xe7: {  	_ =	swait.ge [sflag:s24], $0x4000  }
0xe8: {  	[sflag:s24] =	ssyncset.done $0x0  }
0xe9: {  	s6 =	rddreg [dreg:$0x16];
	[sflag:s24] =	ssyncadd.s32 $0xFFFFC000  }
0xea: {  	[hbm4b:s6+s3] =	stream.linear.scatter [tilespmem:s9], [sflag:$0xA], $0x4000, $0x38;
	[tilespmem:$0x1C800] =	vst v63  }
0xeb: {  	_ =	swait.ge [sflag:s26], $0x4000  }
0xec: {  	[sflag:s26] =	ssyncset.done $0x0  }
0xed: {  	s12 =	rddreg [dreg:$0x17];
	[sflag:s26] =	ssyncadd.s32 $0xFFFFC000  }
0xee: {  	[hbm4b:s12+s3] =	stream.linear.scatter [tilespmem:s10], [sflag:$0xB], $0x4000, $0x38;
	[tilespmem:$0x1C800] =	vst v63  }
0xef: {  	_ =	swait.ge [sflag:s29], $0x4000  }
0xf0: {  	[sflag:s29] =	ssyncset.done $0x0  }
0xf1: {  	s6 =	rddreg [dreg:$0x18];
	[sflag:s29] =	ssyncadd.s32 $0xFFFFC000  }
0xf2: {  	[hbm4b:s6+s3] =	stream.linear.scatter [tilespmem:s11], [sflag:$0xC], $0x4000, $0x38;
	[tilespmem:$0x1C800] =	vst v63  }
0xf3: {  	_ =	swait.ge [sflag:s22], $0x4000  }
0xf4: {  	[sflag:s22] =	ssyncset.done $0x0  }
0xf5: {  	[sflag:s22] =	ssyncadd.s32 $0xFFFFC000  }
0xf6: {  	_ =	swait.ge [sflag:s25], $0x4000  }
0xf7: {  	[sflag:s25] =	ssyncset.done $0x0  }
0xf8: {  	[sflag:s25] =	ssyncadd.s32 $0xFFFFC000  }
0xf9: {  	s12 =	ssub.s32 $0x2, s14;
	_ =	swait.ge [sflag:s28], $0x4000  }
0xfa: {  	s14 =	sshrl.u32 s12, $0x1;
	[sflag:s28] =	ssyncset.done $0x0  }
0xfb: {  	s7 =	ssub.s32 s12, s14;
	[sflag:s28] =	ssyncadd.s32 $0xFFFFC000  }
0xfc: {  	s7 =	smax.u32 s7, $0x1;
	_ =	swait.ge [sflag:s30], $0x4000  }
0xfd: {  	p0 =	sne.s32 s7, $0x1;
	[sflag:s30] =	ssyncset.done $0x0  }
.Ltmp0:
0xfe: {  	[sflag:s30] =	ssyncadd.s32 $0xFFFFC000;
	(pc) =	sbr.rel @!p0 .LBB2_2-.Ltmp0, $4  }
0xff: {  	_ =	swait.ge [sflag:s2], $0x4000  }
0x100: {  	[sflag:s2] =	ssyncset.done $0x0  }
0x101: {  	[sflag:s2] =	ssyncadd.s32 $0xFFFFC000  }
0x102: {  	s7 =	sadd.s32 $0xFFFFFFFF, s7;
	_ =	swait.ge [sflag:s5], $0x4000  }
.LBB2_1:
0x103: {  	s12 =	sld [smem:$0x7F6]  }
0x104: {  	s6 =	rddreg [dreg:$0x7];
	[sflag:s5] =	ssyncset.done $0x0  }
0x105: {  	s14 =	rddreg [dreg:$0x6];
	[sflag:s5] =	ssyncadd.s32 $0xFFFFC000  }
0x106: {  	[spmem:s12], [sflag:s6] =	dma.local [hbm:s14], $0x800  }
0x107: {  	s6 =	rddreg [dreg:$0x8]  }
0x108: {  	s12 =	simm.s32 $0x400;
	s14 =	rddreg [dreg:$0x19]  }
0x109: {  	[tilespmem:s3], [sflag:$0x2] =	stream.strided.gather [hbm4b:s6+s12], $0x800, s14, s12, $0x38;
	[tilespmem:$0x1C800] =	vst v63  }
0x10a: {  	s14 =	simm.s32 $0x1  }
0x10b: {  	_ =	swait.ge [sflag:s14], $0x800  }
0x10c: {  	[sflag:s14] =	ssyncset.done $0x0  }
0x10d: {  	[sflag:s14] =	ssyncadd.s32 $0xFFFFF800  }
0x10e: {  	[tilespmem:s8], [sflag:$0xF] =	stream.linear.gather [spmem:s4], $0x4000, $0x38;
	[tilespmem:$0x1C800] =	vst v63  }
0x10f: {  	_ = 	snop  }
0x110: {  	[tilespmem:s9], [sflag:$0x10] =	stream.linear.gather [spmem:s4], $0x4000, $0x38;
	[tilespmem:$0x1C800] =	vst v63  }
0x111: {  	_ = 	snop  }
0x112: {  	[tilespmem:s10], [sflag:$0x11] =	stream.linear.gather [spmem:s4], $0x4000, $0x38;
	[tilespmem:$0x1C800] =	vst v63  }
0x113: {  	_ = 	snop  }
0x114: {  	[tilespmem:s11], [sflag:$0x12] =	stream.linear.gather [spmem:s4], $0x4000, $0x38;
	[tilespmem:$0x1C800] =	vst v63  }
0x115: {  	s14 =	simm.s32 $0x14800  }
0x116: {  	[tilespmem:s14], [sflag:$0x13] =	stream.linear.gather [spmem:s4], $0x4000, $0x38;
	[tilespmem:$0x1C800] =	vst v63  }
0x117: {  	s6 =	simm.s32 $0x2  }
0x118: {  	[tilespmem:s13], [sflag:$0x14] =	stream.linear.gather [spmem:s4], $0x4000, $0x38;
	[tilespmem:$0x1C800] =	vst v63  }
0x119: {  	_ =	swait.ge [sflag:s6], $0x800  }
0x11a: {  	[sflag:s6] =	ssyncset.done $0x0  }
0x11b: {  	[sflag:s6] =	ssyncadd.s32 $0xFFFFF800  }
0x11c: {  	_ =	swait.ge [sflag:s15], $0x4000  }
0x11d: {  	[sflag:s15] =	ssyncset.done $0x0  }
0x11e: {  	[sflag:s15] =	ssyncadd.s32 $0xFFFFC000  }
0x11f: {  	[tilespmem:s8], [sflag:$0x3] =	stream.indirect.gather.add.f32 [hbm:s1], $0x80, s3, s16, $0xb8;
	[tilespmem:$0x1C800] =	vst v63  }
0x120: {  	_ =	swait.ge [sflag:s17], $0x4000  }
0x121: {  	[sflag:s17] =	ssyncset.done $0x0  }
0x122: {  	[sflag:s17] =	ssyncadd.s32 $0xFFFFC000  }
0x123: {  	[tilespmem:s9], [sflag:$0x4] =	stream.indirect.gather.add.f32 [hbm:s1], $0x80, s16, s16, $0xb8;
	[tilespmem:$0x1C800] =	vst v63  }
0x124: {  	_ =	swait.ge [sflag:s18], $0x4000  }
0x125: {  	[sflag:s18] =	ssyncset.done $0x0  }
0x126: {  	s6 =	rddreg [dreg:$0x1a];
	[sflag:s18] =	ssyncadd.s32 $0xFFFFC000  }
0x127: {  	[tilespmem:s10], [sflag:$0x5] =	stream.indirect.gather.add.f32 [hbm:s1], $0x80, s6, s16, $0xb8;
	[tilespmem:$0x1C800] =	vst v63  }
0x128: {  	_ =	swait.ge [sflag:s19], $0x4000  }
0x129: {  	[sflag:s19] =	ssyncset.done $0x0  }
0x12a: {  	s6 =	rddreg [dreg:$0x1b];
	[sflag:s19] =	ssyncadd.s32 $0xFFFFC000  }
0x12b: {  	[tilespmem:s11], [sflag:$0x6] =	stream.indirect.gather.add.f32 [hbm:s1], $0x80, s6, s16, $0xb8;
	[tilespmem:$0x1C800] =	vst v63  }
0x12c: {  	_ =	swait.ge [sflag:s20], $0x4000  }
0x12d: {  	[sflag:s20] =	ssyncset.done $0x0  }
0x12e: {  	s6 =	rddreg [dreg:$0x1c];
	[sflag:s20] =	ssyncadd.s32 $0xFFFFC000  }
0x12f: {  	[tilespmem:s14], [sflag:$0x7] =	stream.indirect.gather.add.f32 [hbm:s1], $0x80, s6, s16, $0xb8;
	[tilespmem:$0x1C800] =	vst v63  }
0x130: {  	_ =	swait.ge [sflag:s21], $0x4000  }
0x131: {  	[sflag:s21] =	ssyncset.done $0x0  }
0x132: {  	s6 =	rddreg [dreg:$0x9];
	[sflag:s21] =	ssyncadd.s32 $0xFFFFC000  }
0x133: {  	[hbm4b:s6+s3] =	stream.linear.scatter [tilespmem:s8], [sflag:$0x9], $0x4000, $0x38;
	[tilespmem:$0x1C800] =	vst v63  }
0x134: {  	_ =	swait.ge [sflag:s22], $0x4000  }
0x135: {  	[sflag:s22] =	ssyncset.done $0x0  }
0x136: {  	[sflag:s22] =	ssyncadd.s32 $0xFFFFC000  }
0x137: {  	[tilespmem:s8], [sflag:$0xF] =	stream.linear.gather [spmem:s4], $0x4000, $0x38;
	[tilespmem:$0x1C800] =	vst v63  }
0x138: {  	_ =	swait.ge [sflag:s23], $0x4000  }
0x139: {  	[sflag:s23] =	ssyncset.done $0x0  }
0x13a: {  	s6 =	rddreg [dreg:$0x1d];
	[sflag:s23] =	ssyncadd.s32 $0xFFFFC000  }
0x13b: {  	[tilespmem:s13], [sflag:$0x8] =	stream.indirect.gather.add.f32 [hbm:s1], $0x80, s6, s16, $0xb8;
	[tilespmem:$0x1C800] =	vst v63  }
0x13c: {  	_ =	swait.ge [sflag:s24], $0x4000  }
0x13d: {  	[sflag:s24] =	ssyncset.done $0x0  }
0x13e: {  	s6 =	rddreg [dreg:$0xa];
	[sflag:s24] =	ssyncadd.s32 $0xFFFFC000  }
0x13f: {  	[hbm4b:s6+s3] =	stream.linear.scatter [tilespmem:s9], [sflag:$0xA], $0x4000, $0x38;
	[tilespmem:$0x1C800] =	vst v63  }
0x140: {  	_ =	swait.ge [sflag:s25], $0x4000  }
0x141: {  	[sflag:s25] =	ssyncset.done $0x0  }
0x142: {  	[sflag:s25] =	ssyncadd.s32 $0xFFFFC000  }
0x143: {  	[tilespmem:s9], [sflag:$0x10] =	stream.linear.gather [spmem:s4], $0x4000, $0x38;
	[tilespmem:$0x1C800] =	vst v63  }
0x144: {  	_ =	swait.ge [sflag:s15], $0x4000  }
0x145: {  	[sflag:s15] =	ssyncset.done $0x0  }
0x146: {  	s6 =	rddreg [dreg:$0x1e];
	[sflag:s15] =	ssyncadd.s32 $0xFFFFC000  }
0x147: {  	[tilespmem:s8], [sflag:$0x3] =	stream.indirect.gather.add.f32 [hbm:s1], $0x80, s6, s16, $0xb8;
	[tilespmem:$0x1C800] =	vst v63  }
0x148: {  	_ =	swait.ge [sflag:s26], $0x4000  }
0x149: {  	[sflag:s26] =	ssyncset.done $0x0  }
0x14a: {  	s6 =	rddreg [dreg:$0xb];
	[sflag:s26] =	ssyncadd.s32 $0xFFFFC000  }
0x14b: {  	[hbm4b:s6+s3] =	stream.linear.scatter [tilespmem:s10], [sflag:$0xB], $0x4000, $0x38;
	[tilespmem:$0x1C800] =	vst v63  }
0x14c: {  	_ =	swait.ge [sflag:s28], $0x4000  }
0x14d: {  	[sflag:s28] =	ssyncset.done $0x0  }
0x14e: {  	[sflag:s28] =	ssyncadd.s32 $0xFFFFC000  }
0x14f: {  	[tilespmem:s10], [sflag:$0x11] =	stream.linear.gather [spmem:s4], $0x4000, $0x38;
	[tilespmem:$0x1C800] =	vst v63  }
0x150: {  	_ =	swait.ge [sflag:s17], $0x4000  }
0x151: {  	[sflag:s17] =	ssyncset.done $0x0  }
0x152: {  	s6 =	rddreg [dreg:$0x1f];
	[sflag:s17] =	ssyncadd.s32 $0xFFFFC000  }
0x153: {  	[tilespmem:s9], [sflag:$0x4] =	stream.indirect.gather.add.f32 [hbm:s1], $0x80, s6, s16, $0xb8;
	[tilespmem:$0x1C800] =	vst v63  }
0x154: {  	_ =	swait.ge [sflag:s29], $0x4000  }
0x155: {  	[sflag:s29] =	ssyncset.done $0x0  }
0x156: {  	s6 =	rddreg [dreg:$0xc];
	[sflag:s29] =	ssyncadd.s32 $0xFFFFC000  }
0x157: {  	[hbm4b:s6+s3] =	stream.linear.scatter [tilespmem:s11], [sflag:$0xC], $0x4000, $0x38;
	[tilespmem:$0x1C800] =	vst v63  }
0x158: {  	_ =	swait.ge [sflag:s30], $0x4000  }
0x159: {  	[sflag:s30] =	ssyncset.done $0x0  }
0x15a: {  	[sflag:s30] =	ssyncadd.s32 $0xFFFFC000  }
0x15b: {  	[tilespmem:s11], [sflag:$0x12] =	stream.linear.gather [spmem:s4], $0x4000, $0x38;
	[tilespmem:$0x1C800] =	vst v63  }
0x15c: {  	_ =	swait.ge [sflag:s18], $0x4000  }
0x15d: {  	[sflag:s18] =	ssyncset.done $0x0  }
0x15e: {  	[sflag:s18] =	ssyncadd.s32 $0xFFFFC000  }
0x15f: {  	[tilespmem:s10], [sflag:$0x5] =	stream.indirect.gather.add.f32 [hbm:s1], $0x80, s12, s16, $0xb8;
	[tilespmem:$0x1C800] =	vst v63  }
0x160: {  	_ =	swait.ge [sflag:s31], $0x4000  }
0x161: {  	[sflag:s31] =	ssyncset.done $0x0  }
0x162: {  	s12 =	rddreg [dreg:$0xd];
	[sflag:s31] =	ssyncadd.s32 $0xFFFFC000  }
0x163: {  	[hbm4b:s12+s3] =	stream.linear.scatter [tilespmem:s14], [sflag:$0xD], $0x4000, $0x38;
	[tilespmem:$0x1C800] =	vst v63  }
0x164: {  	_ =	swait.ge [sflag:s2], $0x4000  }
0x165: {  	[sflag:s2] =	ssyncset.done $0x0  }
0x166: {  	[sflag:s2] =	ssyncadd.s32 $0xFFFFC000  }
0x167: {  	[tilespmem:s14], [sflag:$0x13] =	stream.linear.gather [spmem:s4], $0x4000, $0x38;
	[tilespmem:$0x1C800] =	vst v63  }
0x168: {  	_ =	swait.ge [sflag:s19], $0x4000  }
0x169: {  	s12 =	sld [smem:$0x7F7]  }
0x16a: {  	[sflag:s19] =	ssyncset.done $0x0  }
0x16b: {  	[sflag:s19] =	ssyncadd.s32 $0xFFFFC000  }
0x16c: {  	[tilespmem:s11], [sflag:$0x6] =	stream.indirect.gather.add.f32 [hbm:s1], $0x80, s12, s16, $0xb8;
	[tilespmem:$0x1C800] =	vst v63  }
0x16d: {  	_ =	swait.ge [sflag:s0], $0x4000  }
0x16e: {  	[sflag:s0] =	ssyncset.done $0x0  }
0x16f: {  	s12 =	rddreg [dreg:$0xe];
	[sflag:s0] =	ssyncadd.s32 $0xFFFFC000  }
0x170: {  	[hbm4b:s12+s3] =	stream.linear.scatter [tilespmem:s13], [sflag:$0xE], $0x4000, $0x38;
	[tilespmem:$0x1C800] =	vst v63  }
0x171: {  	_ =	swait.ge [sflag:s5], $0x4000  }
0x172: {  	[sflag:s5] =	ssyncset.done $0x0  }
0x173: {  	[sflag:s5] =	ssyncadd.s32 $0xFFFFC000  }
0x174: {  	[tilespmem:s13], [sflag:$0x14] =	stream.linear.gather [spmem:s4], $0x4000, $0x38;
	[tilespmem:$0x1C800] =	vst v63  }
0x175: {  	_ =	swait.ge [sflag:s20], $0x4000  }
0x176: {  	s12 =	sld [smem:$0x7F8]  }
0x177: {  	[sflag:s20] =	ssyncset.done $0x0  }
0x178: {  	[sflag:s20] =	ssyncadd.s32 $0xFFFFC000  }
0x179: {  	[tilespmem:s14], [sflag:$0x7] =	stream.indirect.gather.add.f32 [hbm:s1], $0x80, s12, s16, $0xb8;
	[tilespmem:$0x1C800] =	vst v63  }
0x17a: {  	_ =	swait.ge [sflag:s21], $0x4000  }
0x17b: {  	[sflag:s21] =	ssyncset.done $0x0  }
0x17c: {  	s12 =	rddreg [dreg:$0xf];
	[sflag:s21] =	ssyncadd.s32 $0xFFFFC000  }
0x17d: {  	[hbm4b:s12+s3] =	stream.linear.scatter [tilespmem:s8], [sflag:$0x9], $0x4000, $0x38;
	[tilespmem:$0x1C800] =	vst v63  }
0x17e: {  	_ =	swait.ge [sflag:s22], $0x4000  }
0x17f: {  	[sflag:s22] =	ssyncset.done $0x0  }
0x180: {  	[sflag:s22] =	ssyncadd.s32 $0xFFFFC000  }
0x181: {  	[tilespmem:s8], [sflag:$0xF] =	stream.linear.gather [spmem:s4], $0x4000, $0x38;
	[tilespmem:$0x1C800] =	vst v63  }
0x182: {  	_ =	swait.ge [sflag:s23], $0x4000  }
0x183: {  	s12 =	sld [smem:$0x7F9]  }
0x184: {  	[sflag:s23] =	ssyncset.done $0x0  }
0x185: {  	[sflag:s23] =	ssyncadd.s32 $0xFFFFC000  }
0x186: {  	[tilespmem:s13], [sflag:$0x8] =	stream.indirect.gather.add.f32 [hbm:s1], $0x80, s12, s16, $0xb8;
	[tilespmem:$0x1C800] =	vst v63  }
0x187: {  	_ =	swait.ge [sflag:s24], $0x4000  }
0x188: {  	[sflag:s24] =	ssyncset.done $0x0  }
0x189: {  	s12 =	rddreg [dreg:$0x10];
	[sflag:s24] =	ssyncadd.s32 $0xFFFFC000  }
0x18a: {  	[hbm4b:s12+s3] =	stream.linear.scatter [tilespmem:s9], [sflag:$0xA], $0x4000, $0x38;
	[tilespmem:$0x1C800] =	vst v63  }
0x18b: {  	_ =	swait.ge [sflag:s25], $0x4000  }
0x18c: {  	[sflag:s25] =	ssyncset.done $0x0  }
0x18d: {  	[sflag:s25] =	ssyncadd.s32 $0xFFFFC000  }
0x18e: {  	[tilespmem:s9], [sflag:$0x10] =	stream.linear.gather [spmem:s4], $0x4000, $0x38;
	[tilespmem:$0x1C800] =	vst v63  }
0x18f: {  	_ =	swait.ge [sflag:s15], $0x4000  }
0x190: {  	s12 =	sld [smem:$0x7FA]  }
0x191: {  	[sflag:s15] =	ssyncset.done $0x0  }
0x192: {  	[sflag:s15] =	ssyncadd.s32 $0xFFFFC000  }
0x193: {  	[tilespmem:s8], [sflag:$0x3] =	stream.indirect.gather.add.f32 [hbm:s1], $0x80, s12, s16, $0xb8;
	[tilespmem:$0x1C800] =	vst v63  }
0x194: {  	_ =	swait.ge [sflag:s26], $0x4000  }
0x195: {  	[sflag:s26] =	ssyncset.done $0x0  }
0x196: {  	s12 =	rddreg [dreg:$0x11];
	[sflag:s26] =	ssyncadd.s32 $0xFFFFC000  }
0x197: {  	[hbm4b:s12+s3] =	stream.linear.scatter [tilespmem:s10], [sflag:$0xB], $0x4000, $0x38;
	[tilespmem:$0x1C800] =	vst v63  }
0x198: {  	_ =	swait.ge [sflag:s28], $0x4000  }
0x199: {  	[sflag:s28] =	ssyncset.done $0x0  }
0x19a: {  	[sflag:s28] =	ssyncadd.s32 $0xFFFFC000  }
0x19b: {  	[tilespmem:s10], [sflag:$0x11] =	stream.linear.gather [spmem:s4], $0x4000, $0x38;
	[tilespmem:$0x1C800] =	vst v63  }
0x19c: {  	_ =	swait.ge [sflag:s17], $0x4000  }
0x19d: {  	s12 =	sld [smem:$0x7FB]  }
0x19e: {  	[sflag:s17] =	ssyncset.done $0x0  }
0x19f: {  	[sflag:s17] =	ssyncadd.s32 $0xFFFFC000  }
0x1a0: {  	[tilespmem:s9], [sflag:$0x4] =	stream.indirect.gather.add.f32 [hbm:s1], $0x80, s12, s16, $0xb8;
	[tilespmem:$0x1C800] =	vst v63  }
0x1a1: {  	_ =	swait.ge [sflag:s29], $0x4000  }
0x1a2: {  	[sflag:s29] =	ssyncset.done $0x0  }
0x1a3: {  	s12 =	rddreg [dreg:$0x12];
	[sflag:s29] =	ssyncadd.s32 $0xFFFFC000  }
0x1a4: {  	[hbm4b:s12+s3] =	stream.linear.scatter [tilespmem:s11], [sflag:$0xC], $0x4000, $0x38;
	[tilespmem:$0x1C800] =	vst v63  }
0x1a5: {  	_ =	swait.ge [sflag:s30], $0x4000  }
0x1a6: {  	[sflag:s30] =	ssyncset.done $0x0  }
0x1a7: {  	[sflag:s30] =	ssyncadd.s32 $0xFFFFC000  }
0x1a8: {  	[tilespmem:s11], [sflag:$0x12] =	stream.linear.gather [spmem:s4], $0x4000, $0x38;
	[tilespmem:$0x1C800] =	vst v63  }
0x1a9: {  	_ =	swait.ge [sflag:s18], $0x4000  }
0x1aa: {  	s12 =	sld [smem:$0x7FC]  }
0x1ab: {  	[sflag:s18] =	ssyncset.done $0x0  }
0x1ac: {  	[sflag:s18] =	ssyncadd.s32 $0xFFFFC000  }
0x1ad: {  	[tilespmem:s10], [sflag:$0x5] =	stream.indirect.gather.add.f32 [hbm:s1], $0x80, s12, s16, $0xb8;
	[tilespmem:$0x1C800] =	vst v63  }
0x1ae: {  	_ =	swait.ge [sflag:s31], $0x4000  }
0x1af: {  	[sflag:s31] =	ssyncset.done $0x0  }
0x1b0: {  	s12 =	rddreg [dreg:$0x13];
	[sflag:s31] =	ssyncadd.s32 $0xFFFFC000  }
0x1b1: {  	[hbm4b:s12+s3] =	stream.linear.scatter [tilespmem:s14], [sflag:$0xD], $0x4000, $0x38;
	[tilespmem:$0x1C800] =	vst v63  }
0x1b2: {  	_ =	swait.ge [sflag:s19], $0x4000  }
0x1b3: {  	s12 =	sld [smem:$0x7FD]  }
0x1b4: {  	[sflag:s19] =	ssyncset.done $0x0  }
0x1b5: {  	[sflag:s19] =	ssyncadd.s32 $0xFFFFC000  }
0x1b6: {  	[tilespmem:s11], [sflag:$0x6] =	stream.indirect.gather.add.f32 [hbm:s1], $0x80, s12, s16, $0xb8;
	[tilespmem:$0x1C800] =	vst v63  }
0x1b7: {  	_ =	swait.ge [sflag:s0], $0x4000  }
0x1b8: {  	[sflag:s0] =	ssyncset.done $0x0  }
0x1b9: {  	s14 =	rddreg [dreg:$0x14];
	[sflag:s0] =	ssyncadd.s32 $0xFFFFC000  }
0x1ba: {  	[hbm4b:s14+s3] =	stream.linear.scatter [tilespmem:s13], [sflag:$0xE], $0x4000, $0x38;
	[tilespmem:$0x1C800] =	vst v63  }
0x1bb: {  	_ =	swait.ge [sflag:s21], $0x4000  }
0x1bc: {  	[sflag:s21] =	ssyncset.done $0x0  }
0x1bd: {  	s12 =	rddreg [dreg:$0x15];
	[sflag:s21] =	ssyncadd.s32 $0xFFFFC000  }
0x1be: {  	[hbm4b:s12+s3] =	stream.linear.scatter [tilespmem:s8], [sflag:$0x9], $0x4000, $0x38;
	[tilespmem:$0x1C800] =	vst v63  }
0x1bf: {  	_ =	swait.ge [sflag:s24], $0x4000  }
0x1c0: {  	[sflag:s24] =	ssyncset.done $0x0  }
0x1c1: {  	s14 =	rddreg [dreg:$0x16];
	[sflag:s24] =	ssyncadd.s32 $0xFFFFC000  }
0x1c2: {  	[hbm4b:s14+s3] =	stream.linear.scatter [tilespmem:s9], [sflag:$0xA], $0x4000, $0x38;
	[tilespmem:$0x1C800] =	vst v63  }
0x1c3: {  	_ =	swait.ge [sflag:s26], $0x4000  }
0x1c4: {  	[sflag:s26] =	ssyncset.done $0x0  }
0x1c5: {  	s12 =	rddreg [dreg:$0x17];
	[sflag:s26] =	ssyncadd.s32 $0xFFFFC000  }
0x1c6: {  	[hbm4b:s12+s3] =	stream.linear.scatter [tilespmem:s10], [sflag:$0xB], $0x4000, $0x38;
	[tilespmem:$0x1C800] =	vst v63  }
0x1c7: {  	_ =	swait.ge [sflag:s29], $0x4000  }
0x1c8: {  	[sflag:s29] =	ssyncset.done $0x0  }
0x1c9: {  	s14 =	rddreg [dreg:$0x18];
	[sflag:s29] =	ssyncadd.s32 $0xFFFFC000  }
0x1ca: {  	[hbm4b:s14+s3] =	stream.linear.scatter [tilespmem:s11], [sflag:$0xC], $0x4000, $0x38;
	[tilespmem:$0x1C800] =	vst v63  }
0x1cb: {  	_ =	swait.ge [sflag:s22], $0x4000  }
0x1cc: {  	[sflag:s22] =	ssyncset.done $0x0  }
0x1cd: {  	[sflag:s22] =	ssyncadd.s32 $0xFFFFC000  }
0x1ce: {  	_ =	swait.ge [sflag:s25], $0x4000  }
0x1cf: {  	[sflag:s25] =	ssyncset.done $0x0  }
0x1d0: {  	[sflag:s25] =	ssyncadd.s32 $0xFFFFC000  }
0x1d1: {  	_ =	swait.ge [sflag:s28], $0x4000  }
0x1d2: {  	[sflag:s28] =	ssyncset.done $0x0  }
0x1d3: {  	[sflag:s28] =	ssyncadd.s32 $0xFFFFC000  }
0x1d4: {  	_ =	swait.ge [sflag:s30], $0x4000  }
0x1d5: {  	p0 =	sne.s32 s7, $0x1;
	[sflag:s30] =	ssyncset.done $0x0  }
.Ltmp1:
0x1d6: {  	[sflag:s30] =	ssyncadd.s32 $0xFFFFC000;
	(pc) =	sbr.rel @p0 .LBB2_1-.Ltmp1, $4  }
0x1d7: {  	_ =	swait.ge [sflag:s2], $0x4000  }
0x1d8: {  	[sflag:s2] =	ssyncset.done $0x0  }
0x1d9: {  	[sflag:s2] =	ssyncadd.s32 $0xFFFFC000  }
0x1da: {  	s7 =	sadd.s32 $0xFFFFFFFF, s7;
	_ =	swait.ge [sflag:s5], $0x4000  }
.LBB2_2:
0x1db: {  	[sflag:s5] =	ssyncset.done $0x0  }
0x1dc: {  	[sflag:s5] =	ssyncadd.s32 $0xFFFFC000  }
0x1dd: {  	_ =	sfence.sel $0x180000  }
0x1de: {  	[bflag:$0x0] =	sbarrier.arrive $0xFFFF  }
0x1df: {  	_ =	strace $0x90000047  }
0x1e0: {  	s0 =	stileid.u32;
	[bflag:$0x2] =	sbarrier.arrive $0xFFFF  }
0x1e1: {  	p0 =	sne.s32 s0, $0x0;
	s0 =	rddreg [dreg:$0x5]  }
0x1e2: {  	s0 =	sadd.s32 @!p0 $0x100000, s0  }
0x1e3: {  	[sflag:s0] =	ssyncadd.tile.s32 @!p0 $0x1;
	_ =	shalt  }
.Lfunc_end2:
_tile_overlayer_lowered:
.L_overlay_start_2:
0x1e4: {  	(tag) =	ssettag $0x2  }
0x1e5: {  	s0 =	rddreg [dreg:$0x0];
	s2 =	stileid.u32  }
0x1e6: {  	s1 =	rddreg [dreg:$0x1];
	p0 =	sne.s32 s2, $0x0  }
0x1e7: {  	s3 =	rddreg [dreg:$0x2];
	[bflag:$0x3] =	sbarrier.arrive $0xFFFF;
	s2 =	simm.s32 @!p0 $0x1C15  }
0x1e8: {  	[timem:s3], [sflag:s2] =	dma.local @!p0 [hbm:s0], s1  }
0x1e9: {  	s0 =	simm.s32 @!p0 $0x15  }
0x1ea: {  	_ =	swait.ge @!p0 [sflag:s0], s1  }
0x1eb: {  	s1 =	ssub.s32 @!p0 $0x0, s1;
	[sflag:s0] =	ssyncset.done @!p0 $0x0  }
0x1ec: {  	[sflag:s0] =	ssyncadd.s32 @!p0 s1  }
0x1ed: {  	[bflag:$0x3] =	sbarrier.arrive $0xFFFF  }
0x1ee: {  	_ =	shalt  }

</sc_bundles>
